<compile_context>
chip_gen: v7x
topology: tpu7x:2x2x1
jax: 0.10.2.dev20260603
libtpu: 0.0.44.dev20260713+nightly
codegen_flags: <defaults>
</compile_context>

<pallas_src>
import functools

import jax
import jax.numpy as jnp
from jax import lax
from jax.experimental import pallas as pl
from jax.experimental.pallas import tpu as pltpu
from jax.experimental.pallas import tpu_sc as plsc

B, S, H = 1, 2048, 1024
E, TOPK = 8, 2
DFF = 512
KSZ = 4
T = B * S
TILE = 512
P = T * TOPK + E * TILE
NT = P // TILE
_TSH = 9


def _router_body(x_ref, rw_ref, rb_ref, d0_ref, d1_ref, w0_ref,
                 w1_ref, offs_ref, padded_ref):
    x = x_ref[...]
    logits = jnp.dot(x, rw_ref[...], preferred_element_type=jnp.float32)
    logits = logits + rb_ref[...]
    m = jnp.max(logits, axis=1, keepdims=True)
    ex = jnp.exp(logits - m)
    p = ex / jnp.sum(ex, axis=1, keepdims=True)
    lane = lax.broadcasted_iota(jnp.int32, (T, E), 1)
    v1 = jnp.max(p, axis=1, keepdims=True)
    i1 = jnp.min(jnp.where(p == v1, lane, E), axis=1, keepdims=True)
    m1 = lane == i1
    pm = jnp.where(m1, -1.0, p)
    v2 = jnp.max(pm, axis=1, keepdims=True)
    i2 = jnp.min(jnp.where(pm == v2, lane, E), axis=1, keepdims=True)
    m2 = lane == i2
    s = v1 + v2
    w0_ref[...] = v1 / s
    w1_ref[...] = v2 / s

    cmat = jnp.where(jnp.logical_or(m1, m2), 1.0, 0.0).astype(jnp.bfloat16)
    SEG = 128
    r = lax.broadcasted_iota(jnp.int32, (SEG, SEG), 0)
    c = lax.broadcasted_iota(jnp.int32, (SEG, SEG), 1)
    ltri = jnp.where(r >= c, 1.0, 0.0).astype(jnp.bfloat16)
    NSEG = T // SEG
    scums = [jnp.dot(ltri, cmat[i * SEG:(i + 1) * SEG],
                     preferred_element_type=jnp.float32)
             for i in range(NSEG)]
    btot = jnp.concatenate([sc[SEG - 1:SEG, :] for sc in scums], axis=0)
    r2 = lax.broadcasted_iota(jnp.int32, (NSEG, NSEG), 0)
    c2 = lax.broadcasted_iota(jnp.int32, (NSEG, NSEG), 1)
    tri2 = jnp.where(r2 > c2, 1.0, 0.0)
    boff = jnp.dot(tri2, btot, preferred_element_type=jnp.float32,
                   precision=jax.lax.Precision.HIGHEST)
    ccum = jnp.concatenate(
        [scums[i] + boff[i:i + 1, :] for i in range(NSEG)], axis=0)
    rexcl = ccum - cmat.astype(jnp.float32)

    counts = (boff[NSEG - 1:NSEG, :]
              + btot[NSEG - 1:NSEG, :]).astype(jnp.int32)
    padded = ((counts + (TILE - 1)) >> _TSH) << _TSH
    er = lax.broadcasted_iota(jnp.int32, (E, E), 0)
    ec = lax.broadcasted_iota(jnp.int32, (E, E), 1)
    strict = jnp.where(er < ec, 1.0, 0.0)
    offs = jnp.dot(padded.astype(jnp.float32), strict,
                   preferred_element_type=jnp.float32)
    offs_b = jnp.broadcast_to(offs, (T, E))
    dest = offs_b + rexcl
    d0_ref[...] = jnp.sum(jnp.where(m1, dest, 0.0), axis=1,
                          keepdims=True).astype(jnp.int32)
    d1_ref[...] = jnp.sum(jnp.where(m2, dest, 0.0), axis=1,
                          keepdims=True).astype(jnp.int32)
    offs_ref[...] = jnp.broadcast_to(offs.astype(jnp.int32), (8, E))
    padded_ref[...] = jnp.broadcast_to(padded, (8, E))


def _expert_body(te_ref, act_ref, xg_ref, wg_ref, wu_ref, wd_ref, out_ref):
    i = pl.program_id(0)

    @pl.when(act_ref[i] == 1)
    def _():
        xb = xg_ref[...].astype(jnp.bfloat16)
        g = jnp.dot(xb, wg_ref[0], preferred_element_type=jnp.float32)
        u = jnp.dot(xb, wu_ref[0], preferred_element_type=jnp.float32)
        h = (g / (1.0 + jnp.exp(-g))) * u
        out_ref[...] = jnp.dot(h.astype(jnp.bfloat16), wd_ref[0],
                               preferred_element_type=jnp.float32)


def _shared_body(xcat_ref, x_ref, wcat_ref, sup_ref, sdn_ref, a_ref, b_ref,
                 w0_ref, w1_ref, out_ref):
    gate = jnp.dot(xcat_ref[...], wcat_ref[...],
                   preferred_element_type=jnp.float32)
    up = jnp.dot(x_ref[...], sup_ref[...], preferred_element_type=jnp.float32)
    h = (gate / (1.0 + jnp.exp(-gate))) * up
    so = jnp.dot(h.astype(jnp.bfloat16), sdn_ref[...],
                 preferred_element_type=jnp.float32)
    out_ref[...] = so + w0_ref[...] * a_ref[...] + w1_ref[...] * b_ref[...]


_NC, _NS = 2, 16
_NW = _NC * _NS
CHUNK = T // _NW
_HALF = CHUNK // 2


def _dispatch_sc_body(x_hbm, d0_hbm, d1_hbm, xg_hbm,
                      ia_v, ib_v, rows_v, sem0, sem1, sem2):
    cid = lax.axis_index("c")
    sid = lax.axis_index("s")
    base = (sid * _NC + cid) * CHUNK
    lda = pltpu.async_copy(d0_hbm.at[pl.ds(base, CHUNK)], ia_v, sem0)
    ldb = pltpu.async_copy(d1_hbm.at[pl.ds(base, CHUNK)], ib_v, sem1)
    ldx = pltpu.async_copy(x_hbm.at[pl.ds(base, CHUNK)], rows_v, sem2)
    lda.wait()
    ldb.wait()
    ldx.wait()
    s0 = pltpu.async_copy(rows_v, xg_hbm.at[ia_v], sem0)
    s1 = pltpu.async_copy(rows_v, xg_hbm.at[ib_v], sem1)
    s0.wait()
    s1.wait()


def _gather_sc_body(go_hbm, d0_hbm, d1_hbm, a_hbm, b_hbm,
                    ia_v, ib_v, bufa_v, bufb_v, sem0, sem1):
    cid = lax.axis_index("c")
    sid = lax.axis_index("s")
    for h in range(2):
        hb = (cid * _NS + sid) * CHUNK + h * _HALF
        lda = pltpu.async_copy(d0_hbm.at[pl.ds(hb, _HALF)], ia_v, sem0)
        ldb = pltpu.async_copy(d1_hbm.at[pl.ds(hb, _HALF)], ib_v, sem1)
        lda.wait()
        ldb.wait()
        g0 = pltpu.async_copy(go_hbm.at[ia_v], bufa_v, sem0)
        g1 = pltpu.async_copy(go_hbm.at[ib_v], bufb_v, sem1)
        g0.wait()
        wa = pltpu.async_copy(bufa_v, a_hbm.at[pl.ds(hb, _HALF)], sem0)
        g1.wait()
        wb = pltpu.async_copy(bufb_v, b_hbm.at[pl.ds(hb, _HALF)], sem1)
        wa.wait()
        wb.wait()


@functools.lru_cache(maxsize=None)
def _sc_kernels():
    mesh = plsc.VectorSubcoreMesh(core_axis_name="c", subcore_axis_name="s",
                                  num_cores=_NC, num_subcores=_NS)
    dispatch = pl.kernel(
        _dispatch_sc_body,
        out_type=jax.ShapeDtypeStruct((P, H), jnp.float32),
        mesh=mesh,
        scratch_types=[
            pltpu.VMEM((CHUNK,), jnp.int32),
            pltpu.VMEM((CHUNK,), jnp.int32),
            pltpu.VMEM((CHUNK, H), jnp.float32),
            pltpu.SemaphoreType.DMA,
            pltpu.SemaphoreType.DMA,
            pltpu.SemaphoreType.DMA,
        ],
    )
    gather = pl.kernel(
        _gather_sc_body,
        out_type=[jax.ShapeDtypeStruct((T, H), jnp.float32),
                  jax.ShapeDtypeStruct((T, H), jnp.float32)],
        mesh=mesh,
        scratch_types=[
            pltpu.VMEM((_HALF,), jnp.int32),
            pltpu.VMEM((_HALF,), jnp.int32),
            pltpu.VMEM((_HALF, H), jnp.float32),
            pltpu.VMEM((_HALF, H), jnp.float32),
            pltpu.SemaphoreType.DMA,
            pltpu.SemaphoreType.DMA,
        ],
    )
    return dispatch, gather


def kernel(hidden_states, router_w, router_b, expert_gate, expert_up,
           expert_down, shared_conv_w, shared_up, shared_down):
    x = hidden_states.reshape(T, H)
    x16 = x.astype(jnp.bfloat16)

    d0c, d1c, w0c, w1c, offs8, padded8 = pl.pallas_call(
        _router_body,
        out_shape=[
            jax.ShapeDtypeStruct((T, 1), jnp.int32),
            jax.ShapeDtypeStruct((T, 1), jnp.int32),
            jax.ShapeDtypeStruct((T, 1), jnp.float32),
            jax.ShapeDtypeStruct((T, 1), jnp.float32),
            jax.ShapeDtypeStruct((8, E), jnp.int32),
            jax.ShapeDtypeStruct((8, E), jnp.int32),
        ],
    )(x16, router_w.astype(jnp.bfloat16), router_b.reshape(1, E))

    d0 = d0c.reshape(T)
    d1 = d1c.reshape(T)

    offs = offs8[0]
    padded = padded8[0]
    total = offs[E - 1] + padded[E - 1]
    tile_start = jnp.arange(NT, dtype=jnp.int32) * TILE
    te_idx = jnp.sum(
        (tile_start[:, None] >= offs[None, :]).astype(jnp.int32), axis=1) - 1
    act = (tile_start < total).astype(jnp.int32)
    last_te = te_idx[jnp.maximum((total >> _TSH) - 1, 0)]
    te_fix = jnp.where(act == 1, te_idx, last_te).astype(jnp.int32)

    _dispatch_sc, _gather_sc = _sc_kernels()
    xg = _dispatch_sc(x, d0, d1)

    go = pl.pallas_call(
        _expert_body,
        grid_spec=pltpu.PrefetchScalarGridSpec(
            num_scalar_prefetch=2,
            grid=(NT,),
            in_specs=[
                pl.BlockSpec(
                    (TILE, H),
                    lambda i, te, a: (jnp.where(a[i] == 1, i, 0), 0)),
                pl.BlockSpec((1, H, DFF), lambda i, te, a: (te[i], 0, 0)),
                pl.BlockSpec((1, H, DFF), lambda i, te, a: (te[i], 0, 0)),
                pl.BlockSpec((1, DFF, H), lambda i, te, a: (te[i], 0, 0)),
            ],
            out_specs=pl.BlockSpec(
                (TILE, H),
                lambda i, te, a: (jnp.where(a[i] == 1, i, NT - 1), 0)),
        ),
        out_shape=jax.ShapeDtypeStruct((P, H), jnp.float32),
    )(te_fix, act, xg,
      expert_gate.astype(jnp.bfloat16),
      expert_up.astype(jnp.bfloat16),
      expert_down.astype(jnp.bfloat16))

    arows, brows = _gather_sc(go, d0, d1)

    xp = jnp.pad(x16, ((KSZ - 1, 0), (0, 0)))
    xcat = jnp.concatenate([xp[k:T + k] for k in range(KSZ)], axis=1)
    wcat = jnp.concatenate(
        [shared_conv_w[:, :, k].T for k in range(KSZ)], axis=0
    ).astype(jnp.bfloat16)
    TM = 512
    out = pl.pallas_call(
        _shared_body,
        grid=(T // TM,),
        in_specs=[
            pl.BlockSpec((TM, KSZ * H), lambda i: (i, 0)),
            pl.BlockSpec((TM, H), lambda i: (i, 0)),
            pl.BlockSpec((KSZ * H, DFF), lambda i: (0, 0)),
            pl.BlockSpec((H, DFF), lambda i: (0, 0)),
            pl.BlockSpec((DFF, H), lambda i: (0, 0)),
            pl.BlockSpec((TM, H), lambda i: (i, 0)),
            pl.BlockSpec((TM, H), lambda i: (i, 0)),
            pl.BlockSpec((TM, 1), lambda i: (i, 0)),
            pl.BlockSpec((TM, 1), lambda i: (i, 0)),
        ],
        out_specs=pl.BlockSpec((TM, H), lambda i: (i, 0)),
        out_shape=jax.ShapeDtypeStruct((T, H), jnp.float32),
    )(xcat, x16, wcat,
      shared_up.astype(jnp.bfloat16), shared_down.astype(jnp.bfloat16),
      arows, brows, w0c, w1c)
    return out.reshape(B, S, H)

# --- scband reference (transcript-rebuilt; emitter-appended) ---
"""Pipeline reference for scband-bi-bo-mo-elayer-15333033247084 (READ-ONLY COPY).

The authoritative reference and input builder live on the scoring server;
editing this copy changes nothing except your own understanding.
"""

import jax, jax.numpy as jnp
import numpy as np

B, S, H = 1, 2048, 1024
E, TOPK = 8, 2
DFF = 512
KSZ = 4
TEMP = 1.0


def setup_inputs(seed: int = 0) -> dict:
    key = jax.random.key(seed)
    ks = jax.random.split(key, 9)
    scale_h = np.float32(1.0 / np.sqrt(H))
    scale_f = np.float32(1.0 / np.sqrt(DFF))
    return {
        "hidden_states": jax.random.normal(ks[0], (B, S, H), dtype=jnp.float32),
        "router_w": jax.random.normal(ks[1], (H, E), dtype=jnp.float32) * scale_h,
        "router_b": jnp.zeros((E,), dtype=jnp.float32),
        "expert_gate": jax.random.normal(ks[2], (E, H, DFF), dtype=jnp.float32) * scale_h,
        "expert_up": jax.random.normal(ks[3], (E, H, DFF), dtype=jnp.float32) * scale_h,
        "expert_down": jax.random.normal(ks[4], (E, DFF, H), dtype=jnp.float32) * scale_f,
        "shared_conv_w": jax.random.normal(ks[5], (DFF, H, KSZ), dtype=jnp.float32) * scale_h,
        "shared_up": jax.random.normal(ks[6], (H, DFF), dtype=jnp.float32) * scale_h,
        "shared_down": jax.random.normal(ks[7], (DFF, H), dtype=jnp.float32) * scale_f,
    }


def reference(hidden_states, router_w, router_b, expert_gate, expert_up, expert_down, shared_conv_w, shared_up, shared_down):
    b, s, h = hidden_states.shape
    T = b * s
    x = hidden_states.reshape(T, h)
    # ---- router (mlp type, eval mode: no noise) ----
    logits = x.astype(jnp.float32) @ router_w + router_b
    probs = jax.nn.softmax(logits / TEMP, axis=-1)
    top_vals, top_idx = jax.lax.top_k(probs, TOPK)  # [T, k]
    norm_w = top_vals / jnp.sum(top_vals, axis=-1, keepdims=True)
    combine = jnp.sum(jax.nn.one_hot(top_idx, E, dtype=jnp.float32) * norm_w[..., None], axis=1)  # [T, E]
    # ---- routed experts (BiBoMLP SwiGLU, dense weighted combine == sparse dispatch math) ----
    g = jnp.einsum('td,edf->etf', x, expert_gate)
    u = jnp.einsum('td,edf->etf', x, expert_up)
    hgu = jax.nn.silu(g) * u
    eo = jnp.einsum('etf,efd->etd', hgu, expert_down)
    routed = jnp.einsum('te,etd->td', combine, eo).reshape(b, s, h)
    # ---- shared expert: BiBoCausalConv1D ----
    xp = jnp.transpose(hidden_states, (0, 2, 1))  # [B, H, S]
    xp = jnp.pad(xp, ((0, 0), (0, 0), (KSZ - 1, 0)))
    conv = jax.lax.conv_general_dilated(xp, shared_conv_w, (1,), 'VALID', dimension_numbers=('NCH', 'OIH', 'NCH'))  # [B, DFF, S]
    gate = jnp.transpose(conv, (0, 2, 1))  # [B, S, DFF]
    up = hidden_states @ shared_up
    shared = (jax.nn.silu(gate) * up) @ shared_down
    return routed + shared

if __name__ == "__main__":
    import jax
    _d = setup_inputs()
    print(jax.jit(kernel)(*tuple(_d.values())))

</pallas_src>

<mosaic_0001>
#map = affine_map<(d0, d1) -> (0, 0)>
#map1 = affine_map<(d0, d1) -> (0)>
module attributes {stable_mosaic.version = 14 : i64} {
  func.func @_dispatch_sc_body(%arg0: i32, %arg1: i32, %arg2: memref<2048x1024xf32, #tpu.memory_space<hbm>>, %arg3: memref<2048xi32, #tpu.memory_space<hbm>>, %arg4: memref<2048xi32, #tpu.memory_space<hbm>>, %arg5: memref<8192x1024xf32, #tpu.memory_space<hbm>>, %arg6: memref<64xi32, #tpu.memory_space<vmem>>, %arg7: memref<64xi32, #tpu.memory_space<vmem>>, %arg8: memref<64x1024xf32, #tpu.memory_space<vmem>>, %arg9: memref<!tpu.dma_semaphore, #tpu.memory_space<semaphore_mem>>, %arg10: memref<!tpu.dma_semaphore, #tpu.memory_space<semaphore_mem>>, %arg11: memref<!tpu.dma_semaphore, #tpu.memory_space<semaphore_mem>>) attributes {dimension_semantics = [#tpu.dimension_semantics<core_parallel>, #tpu.dimension_semantics<subcore_parallel>], iteration_bounds = array<i64: 2, 16>, scalar_prefetch = 0 : i64, scratch_operands = 6 : i64, tpu.core_type = #tpu.core_type<sc_vector_subcore>, window_params = [{transform_indices = #map}, {transform_indices = #map1}, {transform_indices = #map1}, {transform_indices = #map}]} {
    %mul3A = arith.constant 2 : i32
    %mul3A_0 = arith.muli %arg1, %mul3A : i32
    %add3A = arith.addi %mul3A_0, %arg0 : i32
    %mul3A_1 = arith.constant 64 : i32
    %mul3A_2 = arith.muli %add3A, %mul3A_1 : i32
    %dma_start3A = tpu.memref_slice %arg3[%mul3A_2] : memref<2048xi32, #tpu.memory_space<hbm>> -> memref<64xi32, #tpu.memory_space<hbm>>
    %dma_start3A_3 = tpu.memref_slice %arg3[%mul3A_2] : memref<2048xi32, #tpu.memory_space<hbm>> -> memref<64xi32, #tpu.memory_space<hbm>>
    tpu.enqueue_dma source(%dma_start3A_3 : memref<64xi32, #tpu.memory_space<hbm>>) target(%arg6 : memref<64xi32, #tpu.memory_space<vmem>>) target_semaphore(%arg9 : memref<!tpu.dma_semaphore, #tpu.memory_space<semaphore_mem>>)
    %dma_start3A_4 = tpu.memref_slice %arg4[%mul3A_2] : memref<2048xi32, #tpu.memory_space<hbm>> -> memref<64xi32, #tpu.memory_space<hbm>>
    %dma_start3A_5 = tpu.memref_slice %arg4[%mul3A_2] : memref<2048xi32, #tpu.memory_space<hbm>> -> memref<64xi32, #tpu.memory_space<hbm>>
    tpu.enqueue_dma source(%dma_start3A_5 : memref<64xi32, #tpu.memory_space<hbm>>) target(%arg7 : memref<64xi32, #tpu.memory_space<vmem>>) target_semaphore(%arg10 : memref<!tpu.dma_semaphore, #tpu.memory_space<semaphore_mem>>)
    %dma_start3A_6 = arith.constant 0 : i32
    %dma_start3A_7 = tpu.memref_slice %arg2[%mul3A_2, %dma_start3A_6] : memref<2048x1024xf32, #tpu.memory_space<hbm>> -> memref<64x1024xf32, #tpu.memory_space<hbm>>
    %dma_start3A_8 = arith.constant 0 : i32
    %dma_start3A_9 = tpu.memref_slice %arg2[%mul3A_2, %dma_start3A_8] : memref<2048x1024xf32, #tpu.memory_space<hbm>> -> memref<64x1024xf32, #tpu.memory_space<hbm>>
    tpu.enqueue_dma source(%dma_start3A_9 : memref<64x1024xf32, #tpu.memory_space<hbm>>) target(%arg8 : memref<64x1024xf32, #tpu.memory_space<vmem>>) target_semaphore(%arg11 : memref<!tpu.dma_semaphore, #tpu.memory_space<semaphore_mem>>)
    %dma_wait3A = tpu.memref_slice %arg3[%mul3A_2] : memref<2048xi32, #tpu.memory_space<hbm>> -> memref<64xi32, #tpu.memory_space<hbm>>
    %dma_wait3A_10 = tpu.memref_slice %arg3[%mul3A_2] : memref<2048xi32, #tpu.memory_space<hbm>> -> memref<64xi32, #tpu.memory_space<hbm>>
    tpu.wait_dma2 semaphore(%arg9 : memref<!tpu.dma_semaphore, #tpu.memory_space<semaphore_mem>>) src(%dma_wait3A_10 : memref<64xi32, #tpu.memory_space<hbm>>) dst(%arg6 : memref<64xi32, #tpu.memory_space<vmem>>)
    %dma_wait3A_11 = tpu.memref_slice %arg4[%mul3A_2] : memref<2048xi32, #tpu.memory_space<hbm>> -> memref<64xi32, #tpu.memory_space<hbm>>
    %dma_wait3A_12 = tpu.memref_slice %arg4[%mul3A_2] : memref<2048xi32, #tpu.memory_space<hbm>> -> memref<64xi32, #tpu.memory_space<hbm>>
    tpu.wait_dma2 semaphore(%arg10 : memref<!tpu.dma_semaphore, #tpu.memory_space<semaphore_mem>>) src(%dma_wait3A_12 : memref<64xi32, #tpu.memory_space<hbm>>) dst(%arg7 : memref<64xi32, #tpu.memory_space<vmem>>)
    %dma_wait3A_13 = arith.constant 0 : i32
    %dma_wait3A_14 = tpu.memref_slice %arg2[%mul3A_2, %dma_wait3A_13] : memref<2048x1024xf32, #tpu.memory_space<hbm>> -> memref<64x1024xf32, #tpu.memory_space<hbm>>
    %dma_wait3A_15 = arith.constant 0 : i32
    %dma_wait3A_16 = tpu.memref_slice %arg2[%mul3A_2, %dma_wait3A_15] : memref<2048x1024xf32, #tpu.memory_space<hbm>> -> memref<64x1024xf32, #tpu.memory_space<hbm>>
    tpu.wait_dma2 semaphore(%arg11 : memref<!tpu.dma_semaphore, #tpu.memory_space<semaphore_mem>>) src(%dma_wait3A_16 : memref<64x1024xf32, #tpu.memory_space<hbm>>) dst(%arg8 : memref<64x1024xf32, #tpu.memory_space<vmem>>)
    %dma_start3A_17 = arith.constant 0 : i32
    %dma_start3A_18 = arith.constant 0 : i32
    %dma_start3A_19 = tpu.memref_slice %arg5[%dma_start3A_17, %dma_start3A_18] : memref<8192x1024xf32, #tpu.memory_space<hbm>> -> memref<8192x1024xf32, #tpu.memory_space<hbm>>
    tpu.enqueue_indirect_dma source(%arg8 : memref<64x1024xf32, #tpu.memory_space<vmem>>) target(%dma_start3A_19 : memref<8192x1024xf32, #tpu.memory_space<hbm>>) offsets(%arg6 : memref<64xi32, #tpu.memory_space<vmem>>) semaphore(%arg9 : memref<!tpu.dma_semaphore, #tpu.memory_space<semaphore_mem>>)
    %dma_start3A_20 = arith.constant 0 : i32
    %dma_start3A_21 = arith.constant 0 : i32
    %dma_start3A_22 = tpu.memref_slice %arg5[%dma_start3A_20, %dma_start3A_21] : memref<8192x1024xf32, #tpu.memory_space<hbm>> -> memref<8192x1024xf32, #tpu.memory_space<hbm>>
    tpu.enqueue_indirect_dma source(%arg8 : memref<64x1024xf32, #tpu.memory_space<vmem>>) target(%dma_start3A_22 : memref<8192x1024xf32, #tpu.memory_space<hbm>>) offsets(%arg7 : memref<64xi32, #tpu.memory_space<vmem>>) semaphore(%arg10 : memref<!tpu.dma_semaphore, #tpu.memory_space<semaphore_mem>>)
    %dma_wait3A_23 = arith.constant 0 : i32
    %dma_wait3A_24 = arith.constant 0 : i32
    %dma_wait3A_25 = tpu.memref_slice %arg5[%dma_wait3A_23, %dma_wait3A_24] : memref<8192x1024xf32, #tpu.memory_space<hbm>> -> memref<8192x1024xf32, #tpu.memory_space<hbm>>
    tpu.wait_indirect_dma semaphore(%arg9 : memref<!tpu.dma_semaphore, #tpu.memory_space<semaphore_mem>>) src(%arg8 : memref<64x1024xf32, #tpu.memory_space<vmem>>) dst(%dma_wait3A_25 : memref<8192x1024xf32, #tpu.memory_space<hbm>>)
    %dma_wait3A_26 = arith.constant 0 : i32
    %dma_wait3A_27 = arith.constant 0 : i32
    %dma_wait3A_28 = tpu.memref_slice %arg5[%dma_wait3A_26, %dma_wait3A_27] : memref<8192x1024xf32, #tpu.memory_space<hbm>> -> memref<8192x1024xf32, #tpu.memory_space<hbm>>
    tpu.wait_indirect_dma semaphore(%arg10 : memref<!tpu.dma_semaphore, #tpu.memory_space<semaphore_mem>>) src(%arg8 : memref<64x1024xf32, #tpu.memory_space<vmem>>) dst(%dma_wait3A_28 : memref<8192x1024xf32, #tpu.memory_space<hbm>>)
    return
  }
}

#map = affine_map<(d0, d1) -> (0, 0)>
#map1 = affine_map<(d0, d1) -> (0)>
module attributes {stable_mosaic.version = 14 : i64} {
  func.func @_gather_sc_body(%arg0: i32, %arg1: i32, %arg2: memref<8192x1024xf32, #tpu.memory_space<hbm>>, %arg3: memref<2048xi32, #tpu.memory_space<hbm>>, %arg4: memref<2048xi32, #tpu.memory_space<hbm>>, %arg5: memref<2048x1024xf32, #tpu.memory_space<hbm>>, %arg6: memref<2048x1024xf32, #tpu.memory_space<hbm>>, %arg7: memref<32xi32, #tpu.memory_space<vmem>>, %arg8: memref<32xi32, #tpu.memory_space<vmem>>, %arg9: memref<32x1024xf32, #tpu.memory_space<vmem>>, %arg10: memref<32x1024xf32, #tpu.memory_space<vmem>>, %arg11: memref<!tpu.dma_semaphore, #tpu.memory_space<semaphore_mem>>, %arg12: memref<!tpu.dma_semaphore, #tpu.memory_space<semaphore_mem>>) attributes {dimension_semantics = [#tpu.dimension_semantics<core_parallel>, #tpu.dimension_semantics<subcore_parallel>], iteration_bounds = array<i64: 2, 16>, scalar_prefetch = 0 : i64, scratch_operands = 6 : i64, tpu.core_type = #tpu.core_type<sc_vector_subcore>, window_params = [{transform_indices = #map}, {transform_indices = #map1}, {transform_indices = #map1}, {transform_indices = #map}, {transform_indices = #map}]} {
    %mul3A = arith.constant 16 : i32
    %mul3A_0 = arith.muli %arg0, %mul3A : i32
    %add3A = arith.addi %mul3A_0, %arg1 : i32
    %mul3A_1 = arith.constant 64 : i32
    %mul3A_2 = arith.muli %add3A, %mul3A_1 : i32
    %add3A_3 = arith.constant 0 : i32
    %add3A_4 = arith.addi %mul3A_2, %add3A_3 : i32
    %dma_start3A = tpu.memref_slice %arg3[%add3A_4] : memref<2048xi32, #tpu.memory_space<hbm>> -> memref<32xi32, #tpu.memory_space<hbm>>
    %dma_start3A_5 = tpu.memref_slice %arg3[%add3A_4] : memref<2048xi32, #tpu.memory_space<hbm>> -> memref<32xi32, #tpu.memory_space<hbm>>
    tpu.enqueue_dma source(%dma_start3A_5 : memref<32xi32, #tpu.memory_space<hbm>>) target(%arg7 : memref<32xi32, #tpu.memory_space<vmem>>) target_semaphore(%arg11 : memref<!tpu.dma_semaphore, #tpu.memory_space<semaphore_mem>>)
    %dma_start3A_6 = tpu.memref_slice %arg4[%add3A_4] : memref<2048xi32, #tpu.memory_space<hbm>> -> memref<32xi32, #tpu.memory_space<hbm>>
    %dma_start3A_7 = tpu.memref_slice %arg4[%add3A_4] : memref<2048xi32, #tpu.memory_space<hbm>> -> memref<32xi32, #tpu.memory_space<hbm>>
    tpu.enqueue_dma source(%dma_start3A_7 : memref<32xi32, #tpu.memory_space<hbm>>) target(%arg8 : memref<32xi32, #tpu.memory_space<vmem>>) target_semaphore(%arg12 : memref<!tpu.dma_semaphore, #tpu.memory_space<semaphore_mem>>)
    %dma_wait3A = tpu.memref_slice %arg3[%add3A_4] : memref<2048xi32, #tpu.memory_space<hbm>> -> memref<32xi32, #tpu.memory_space<hbm>>
    %dma_wait3A_8 = tpu.memref_slice %arg3[%add3A_4] : memref<2048xi32, #tpu.memory_space<hbm>> -> memref<32xi32, #tpu.memory_space<hbm>>
    tpu.wait_dma2 semaphore(%arg11 : memref<!tpu.dma_semaphore, #tpu.memory_space<semaphore_mem>>) src(%dma_wait3A_8 : memref<32xi32, #tpu.memory_space<hbm>>) dst(%arg7 : memref<32xi32, #tpu.memory_space<vmem>>)
    %dma_wait3A_9 = tpu.memref_slice %arg4[%add3A_4] : memref<2048xi32, #tpu.memory_space<hbm>> -> memref<32xi32, #tpu.memory_space<hbm>>
    %dma_wait3A_10 = tpu.memref_slice %arg4[%add3A_4] : memref<2048xi32, #tpu.memory_space<hbm>> -> memref<32xi32, #tpu.memory_space<hbm>>
    tpu.wait_dma2 semaphore(%arg12 : memref<!tpu.dma_semaphore, #tpu.memory_space<semaphore_mem>>) src(%dma_wait3A_10 : memref<32xi32, #tpu.memory_space<hbm>>) dst(%arg8 : memref<32xi32, #tpu.memory_space<vmem>>)
    %dma_start3A_11 = arith.constant 0 : i32
    %dma_start3A_12 = arith.constant 0 : i32
    %dma_start3A_13 = tpu.memref_slice %arg2[%dma_start3A_11, %dma_start3A_12] : memref<8192x1024xf32, #tpu.memory_space<hbm>> -> memref<8192x1024xf32, #tpu.memory_space<hbm>>
    tpu.enqueue_indirect_dma source(%dma_start3A_13 : memref<8192x1024xf32, #tpu.memory_space<hbm>>) target(%arg9 : memref<32x1024xf32, #tpu.memory_space<vmem>>) offsets(%arg7 : memref<32xi32, #tpu.memory_space<vmem>>) semaphore(%arg11 : memref<!tpu.dma_semaphore, #tpu.memory_space<semaphore_mem>>)
    %dma_start3A_14 = arith.constant 0 : i32
    %dma_start3A_15 = arith.constant 0 : i32
    %dma_start3A_16 = tpu.memref_slice %arg2[%dma_start3A_14, %dma_start3A_15] : memref<8192x1024xf32, #tpu.memory_space<hbm>> -> memref<8192x1024xf32, #tpu.memory_space<hbm>>
    tpu.enqueue_indirect_dma source(%dma_start3A_16 : memref<8192x1024xf32, #tpu.memory_space<hbm>>) target(%arg10 : memref<32x1024xf32, #tpu.memory_space<vmem>>) offsets(%arg8 : memref<32xi32, #tpu.memory_space<vmem>>) semaphore(%arg12 : memref<!tpu.dma_semaphore, #tpu.memory_space<semaphore_mem>>)
    %dma_wait3A_17 = arith.constant 0 : i32
    %dma_wait3A_18 = arith.constant 0 : i32
    %dma_wait3A_19 = tpu.memref_slice %arg2[%dma_wait3A_17, %dma_wait3A_18] : memref<8192x1024xf32, #tpu.memory_space<hbm>> -> memref<8192x1024xf32, #tpu.memory_space<hbm>>
    tpu.wait_indirect_dma semaphore(%arg11 : memref<!tpu.dma_semaphore, #tpu.memory_space<semaphore_mem>>) src(%dma_wait3A_19 : memref<8192x1024xf32, #tpu.memory_space<hbm>>) dst(%arg9 : memref<32x1024xf32, #tpu.memory_space<vmem>>)
    %dma_start3A_20 = arith.constant 0 : i32
    %dma_start3A_21 = tpu.memref_slice %arg5[%add3A_4, %dma_start3A_20] : memref<2048x1024xf32, #tpu.memory_space<hbm>> -> memref<32x1024xf32, #tpu.memory_space<hbm>>
    %dma_start3A_22 = arith.constant 0 : i32
    %dma_start3A_23 = tpu.memref_slice %arg5[%add3A_4, %dma_start3A_22] : memref<2048x1024xf32, #tpu.memory_space<hbm>> -> memref<32x1024xf32, #tpu.memory_space<hbm>>
    tpu.enqueue_dma source(%arg9 : memref<32x1024xf32, #tpu.memory_space<vmem>>) target(%dma_start3A_23 : memref<32x1024xf32, #tpu.memory_space<hbm>>) target_semaphore(%arg11 : memref<!tpu.dma_semaphore, #tpu.memory_space<semaphore_mem>>)
    %dma_wait3A_24 = arith.constant 0 : i32
    %dma_wait3A_25 = arith.constant 0 : i32
    %dma_wait3A_26 = tpu.memref_slice %arg2[%dma_wait3A_24, %dma_wait3A_25] : memref<8192x1024xf32, #tpu.memory_space<hbm>> -> memref<8192x1024xf32, #tpu.memory_space<hbm>>
    tpu.wait_indirect_dma semaphore(%arg12 : memref<!tpu.dma_semaphore, #tpu.memory_space<semaphore_mem>>) src(%dma_wait3A_26 : memref<8192x1024xf32, #tpu.memory_space<hbm>>) dst(%arg10 : memref<32x1024xf32, #tpu.memory_space<vmem>>)
    %dma_start3A_27 = arith.constant 0 : i32
    %dma_start3A_28 = tpu.memref_slice %arg6[%add3A_4, %dma_start3A_27] : memref<2048x1024xf32, #tpu.memory_space<hbm>> -> memref<32x1024xf32, #tpu.memory_space<hbm>>
    %dma_start3A_29 = arith.constant 0 : i32
    %dma_start3A_30 = tpu.memref_slice %arg6[%add3A_4, %dma_start3A_29] : memref<2048x1024xf32, #tpu.memory_space<hbm>> -> memref<32x1024xf32, #tpu.memory_space<hbm>>
    tpu.enqueue_dma source(%arg10 : memref<32x1024xf32, #tpu.memory_space<vmem>>) target(%dma_start3A_30 : memref<32x1024xf32, #tpu.memory_space<hbm>>) target_semaphore(%arg12 : memref<!tpu.dma_semaphore, #tpu.memory_space<semaphore_mem>>)
    %dma_wait3A_31 = arith.constant 0 : i32
    %dma_wait3A_32 = tpu.memref_slice %arg5[%add3A_4, %dma_wait3A_31] : memref<2048x1024xf32, #tpu.memory_space<hbm>> -> memref<32x1024xf32, #tpu.memory_space<hbm>>
    %dma_wait3A_33 = arith.constant 0 : i32
    %dma_wait3A_34 = tpu.memref_slice %arg5[%add3A_4, %dma_wait3A_33] : memref<2048x1024xf32, #tpu.memory_space<hbm>> -> memref<32x1024xf32, #tpu.memory_space<hbm>>
    tpu.wait_dma2 semaphore(%arg11 : memref<!tpu.dma_semaphore, #tpu.memory_space<semaphore_mem>>) src(%arg9 : memref<32x1024xf32, #tpu.memory_space<vmem>>) dst(%dma_wait3A_34 : memref<32x1024xf32, #tpu.memory_space<hbm>>)
    %dma_wait3A_35 = arith.constant 0 : i32
    %dma_wait3A_36 = tpu.memref_slice %arg6[%add3A_4, %dma_wait3A_35] : memref<2048x1024xf32, #tpu.memory_space<hbm>> -> memref<32x1024xf32, #tpu.memory_space<hbm>>
    %dma_wait3A_37 = arith.constant 0 : i32
    %dma_wait3A_38 = tpu.memref_slice %arg6[%add3A_4, %dma_wait3A_37] : memref<2048x1024xf32, #tpu.memory_space<hbm>> -> memref<32x1024xf32, #tpu.memory_space<hbm>>
    tpu.wait_dma2 semaphore(%arg12 : memref<!tpu.dma_semaphore, #tpu.memory_space<semaphore_mem>>) src(%arg10 : memref<32x1024xf32, #tpu.memory_space<vmem>>) dst(%dma_wait3A_38 : memref<32x1024xf32, #tpu.memory_space<hbm>>)
    %mul3A_39 = arith.constant 16 : i32
    %mul3A_40 = arith.muli %arg0, %mul3A_39 : i32
    %add3A_41 = arith.addi %mul3A_40, %arg1 : i32
    %mul3A_42 = arith.constant 64 : i32
    %mul3A_43 = arith.muli %add3A_41, %mul3A_42 : i32
    %add3A_44 = arith.constant 32 : i32
    %add3A_45 = arith.addi %mul3A_43, %add3A_44 : i32
    %dma_start3A_46 = tpu.memref_slice %arg3[%add3A_45] : memref<2048xi32, #tpu.memory_space<hbm>> -> memref<32xi32, #tpu.memory_space<hbm>>
    %dma_start3A_47 = tpu.memref_slice %arg3[%add3A_45] : memref<2048xi32, #tpu.memory_space<hbm>> -> memref<32xi32, #tpu.memory_space<hbm>>
    tpu.enqueue_dma source(%dma_start3A_47 : memref<32xi32, #tpu.memory_space<hbm>>) target(%arg7 : memref<32xi32, #tpu.memory_space<vmem>>) target_semaphore(%arg11 : memref<!tpu.dma_semaphore, #tpu.memory_space<semaphore_mem>>)
    %dma_start3A_48 = tpu.memref_slice %arg4[%add3A_45] : memref<2048xi32, #tpu.memory_space<hbm>> -> memref<32xi32, #tpu.memory_space<hbm>>
    %dma_start3A_49 = tpu.memref_slice %arg4[%add3A_45] : memref<2048xi32, #tpu.memory_space<hbm>> -> memref<32xi32, #tpu.memory_space<hbm>>
    tpu.enqueue_dma source(%dma_start3A_49 : memref<32xi32, #tpu.memory_space<hbm>>) target(%arg8 : memref<32xi32, #tpu.memory_space<vmem>>) target_semaphore(%arg12 : memref<!tpu.dma_semaphore, #tpu.memory_space<semaphore_mem>>)
    %dma_wait3A_50 = tpu.memref_slice %arg3[%add3A_45] : memref<2048xi32, #tpu.memory_space<hbm>> -> memref<32xi32, #tpu.memory_space<hbm>>
    %dma_wait3A_51 = tpu.memref_slice %arg3[%add3A_45] : memref<2048xi32, #tpu.memory_space<hbm>> -> memref<32xi32, #tpu.memory_space<hbm>>
    tpu.wait_dma2 semaphore(%arg11 : memref<!tpu.dma_semaphore, #tpu.memory_space<semaphore_mem>>) src(%dma_wait3A_51 : memref<32xi32, #tpu.memory_space<hbm>>) dst(%arg7 : memref<32xi32, #tpu.memory_space<vmem>>)
    %dma_wait3A_52 = tpu.memref_slice %arg4[%add3A_45] : memref<2048xi32, #tpu.memory_space<hbm>> -> memref<32xi32, #tpu.memory_space<hbm>>
    %dma_wait3A_53 = tpu.memref_slice %arg4[%add3A_45] : memref<2048xi32, #tpu.memory_space<hbm>> -> memref<32xi32, #tpu.memory_space<hbm>>
    tpu.wait_dma2 semaphore(%arg12 : memref<!tpu.dma_semaphore, #tpu.memory_space<semaphore_mem>>) src(%dma_wait3A_53 : memref<32xi32, #tpu.memory_space<hbm>>) dst(%arg8 : memref<32xi32, #tpu.memory_space<vmem>>)
    %dma_start3A_54 = arith.constant 0 : i32
    %dma_start3A_55 = arith.constant 0 : i32
    %dma_start3A_56 = tpu.memref_slice %arg2[%dma_start3A_54, %dma_start3A_55] : memref<8192x1024xf32, #tpu.memory_space<hbm>> -> memref<8192x1024xf32, #tpu.memory_space<hbm>>
    tpu.enqueue_indirect_dma source(%dma_start3A_56 : memref<8192x1024xf32, #tpu.memory_space<hbm>>) target(%arg9 : memref<32x1024xf32, #tpu.memory_space<vmem>>) offsets(%arg7 : memref<32xi32, #tpu.memory_space<vmem>>) semaphore(%arg11 : memref<!tpu.dma_semaphore, #tpu.memory_space<semaphore_mem>>)
    %dma_start3A_57 = arith.constant 0 : i32
    %dma_start3A_58 = arith.constant 0 : i32
    %dma_start3A_59 = tpu.memref_slice %arg2[%dma_start3A_57, %dma_start3A_58] : memref<8192x1024xf32, #tpu.memory_space<hbm>> -> memref<8192x1024xf32, #tpu.memory_space<hbm>>
    tpu.enqueue_indirect_dma source(%dma_start3A_59 : memref<8192x1024xf32, #tpu.memory_space<hbm>>) target(%arg10 : memref<32x1024xf32, #tpu.memory_space<vmem>>) offsets(%arg8 : memref<32xi32, #tpu.memory_space<vmem>>) semaphore(%arg12 : memref<!tpu.dma_semaphore, #tpu.memory_space<semaphore_mem>>)
    %dma_wait3A_60 = arith.constant 0 : i32
    %dma_wait3A_61 = arith.constant 0 : i32
    %dma_wait3A_62 = tpu.memref_slice %arg2[%dma_wait3A_60, %dma_wait3A_61] : memref<8192x1024xf32, #tpu.memory_space<hbm>> -> memref<8192x1024xf32, #tpu.memory_space<hbm>>
    tpu.wait_indirect_dma semaphore(%arg11 : memref<!tpu.dma_semaphore, #tpu.memory_space<semaphore_mem>>) src(%dma_wait3A_62 : memref<8192x1024xf32, #tpu.memory_space<hbm>>) dst(%arg9 : memref<32x1024xf32, #tpu.memory_space<vmem>>)
    %dma_start3A_63 = arith.constant 0 : i32
    %dma_start3A_64 = tpu.memref_slice %arg5[%add3A_45, %dma_start3A_63] : memref<2048x1024xf32, #tpu.memory_space<hbm>> -> memref<32x1024xf32, #tpu.memory_space<hbm>>
    %dma_start3A_65 = arith.constant 0 : i32
    %dma_start3A_66 = tpu.memref_slice %arg5[%add3A_45, %dma_start3A_65] : memref<2048x1024xf32, #tpu.memory_space<hbm>> -> memref<32x1024xf32, #tpu.memory_space<hbm>>
    tpu.enqueue_dma source(%arg9 : memref<32x1024xf32, #tpu.memory_space<vmem>>) target(%dma_start3A_66 : memref<32x1024xf32, #tpu.memory_space<hbm>>) target_semaphore(%arg11 : memref<!tpu.dma_semaphore, #tpu.memory_space<semaphore_mem>>)
    %dma_wait3A_67 = arith.constant 0 : i32
    %dma_wait3A_68 = arith.constant 0 : i32
    %dma_wait3A_69 = tpu.memref_slice %arg2[%dma_wait3A_67, %dma_wait3A_68] : memref<8192x1024xf32, #tpu.memory_space<hbm>> -> memref<8192x1024xf32, #tpu.memory_space<hbm>>
    tpu.wait_indirect_dma semaphore(%arg12 : memref<!tpu.dma_semaphore, #tpu.memory_space<semaphore_mem>>) src(%dma_wait3A_69 : memref<8192x1024xf32, #tpu.memory_space<hbm>>) dst(%arg10 : memref<32x1024xf32, #tpu.memory_space<vmem>>)
    %dma_start3A_70 = arith.constant 0 : i32
    %dma_start3A_71 = tpu.memref_slice %arg6[%add3A_45, %dma_start3A_70] : memref<2048x1024xf32, #tpu.memory_space<hbm>> -> memref<32x1024xf32, #tpu.memory_space<hbm>>
    %dma_start3A_72 = arith.constant 0 : i32
    %dma_start3A_73 = tpu.memref_slice %arg6[%add3A_45, %dma_start3A_72] : memref<2048x1024xf32, #tpu.memory_space<hbm>> -> memref<32x1024xf32, #tpu.memory_space<hbm>>
    tpu.enqueue_dma source(%arg10 : memref<32x1024xf32, #tpu.memory_space<vmem>>) target(%dma_start3A_73 : memref<32x1024xf32, #tpu.memory_space<hbm>>) target_semaphore(%arg12 : memref<!tpu.dma_semaphore, #tpu.memory_space<semaphore_mem>>)
    %dma_wait3A_74 = arith.constant 0 : i32
    %dma_wait3A_75 = tpu.memref_slice %arg5[%add3A_45, %dma_wait3A_74] : memref<2048x1024xf32, #tpu.memory_space<hbm>> -> memref<32x1024xf32, #tpu.memory_space<hbm>>
    %dma_wait3A_76 = arith.constant 0 : i32
    %dma_wait3A_77 = tpu.memref_slice %arg5[%add3A_45, %dma_wait3A_76] : memref<2048x1024xf32, #tpu.memory_space<hbm>> -> memref<32x1024xf32, #tpu.memory_space<hbm>>
    tpu.wait_dma2 semaphore(%arg11 : memref<!tpu.dma_semaphore, #tpu.memory_space<semaphore_mem>>) src(%arg9 : memref<32x1024xf32, #tpu.memory_space<vmem>>) dst(%dma_wait3A_77 : memref<32x1024xf32, #tpu.memory_space<hbm>>)
    %dma_wait3A_78 = arith.constant 0 : i32
    %dma_wait3A_79 = tpu.memref_slice %arg6[%add3A_45, %dma_wait3A_78] : memref<2048x1024xf32, #tpu.memory_space<hbm>> -> memref<32x1024xf32, #tpu.memory_space<hbm>>
    %dma_wait3A_80 = arith.constant 0 : i32
    %dma_wait3A_81 = tpu.memref_slice %arg6[%add3A_45, %dma_wait3A_80] : memref<2048x1024xf32, #tpu.memory_space<hbm>> -> memref<32x1024xf32, #tpu.memory_space<hbm>>
    tpu.wait_dma2 semaphore(%arg12 : memref<!tpu.dma_semaphore, #tpu.memory_space<semaphore_mem>>) src(%arg10 : memref<32x1024xf32, #tpu.memory_space<vmem>>) dst(%dma_wait3A_81 : memref<32x1024xf32, #tpu.memory_space<hbm>>)
    return
  }
}

module attributes {stable_mosaic.version = 14 : i64} {
  func.func @_router_body(%arg0: memref<2048x1024xbf16, #tpu.memory_space<vmem>>, %arg1: memref<1024x8xbf16, #tpu.memory_space<vmem>>, %arg2: memref<1x8xf32, #tpu.memory_space<vmem>>, %arg3: memref<2048x1xi32, #tpu.memory_space<vmem>>, %arg4: memref<2048x1xi32, #tpu.memory_space<vmem>>, %arg5: memref<2048x1xf32, #tpu.memory_space<vmem>>, %arg6: memref<2048x1xf32, #tpu.memory_space<vmem>>, %arg7: memref<8x8xi32, #tpu.memory_space<vmem>>, %arg8: memref<8x8xi32, #tpu.memory_space<vmem>>) attributes {dimension_semantics = [], scalar_prefetch = 0 : i64, scratch_operands = 0 : i64, tpu.core_type = #tpu.core_type<tc>} {
    %get3A = arith.constant 0 : index
    %get3A_0 = arith.constant 0 : index
    %get3A_1 = vector.load %arg0[%get3A, %get3A_0] : memref<2048x1024xbf16, #tpu.memory_space<vmem>>, vector<2048x1024xbf16>
    %get3A_2 = arith.constant 0 : index
    %get3A_3 = arith.constant 0 : index
    %get3A_4 = vector.load %arg1[%get3A_2, %get3A_3] : memref<1024x8xbf16, #tpu.memory_space<vmem>>, vector<1024x8xbf16>
    %dot_general3A = arith.constant dense<0.000000e+00> : vector<2048x8xf32>
    %dot_general3A_5 = tpu.matmul %get3A_1, %get3A_4, %dot_general3A {dimension_numbers = #tpu.dot_dimension_numbers<[1], [0], [0], [1], [0, 0, 1, 1], [], []>, transpose_lhs_hint = false} : vector<2048x1024xbf16>, vector<1024x8xbf16>, vector<2048x8xf32> -> vector<2048x8xf32>
    %get3A_6 = arith.constant 0 : index
    %get3A_7 = arith.constant 0 : index
    %get3A_8 = vector.load %arg2[%get3A_6, %get3A_7] : memref<1x8xf32, #tpu.memory_space<vmem>>, vector<1x8xf32>
    %add3A = vector.broadcast %get3A_8 : vector<1x8xf32> to vector<2048x8xf32>
    %add3A_9 = arith.addf %dot_general3A_5, %add3A : vector<2048x8xf32>
    %reduce_max3A = arith.constant dense<0xFF800000> : vector<2048xf32>
    %reduce_max3A_10 = vector.multi_reduction <maximumf>, %add3A_9, %reduce_max3A [1] : vector<2048x8xf32> to vector<2048xf32>
    %broadcast_in_dim3A = vector.shape_cast %reduce_max3A_10 : vector<2048xf32> to vector<2048x1xf32>
    %sub3A = vector.broadcast %broadcast_in_dim3A : vector<2048x1xf32> to vector<2048x8xf32>
    %sub3A_11 = arith.subf %add3A_9, %sub3A : vector<2048x8xf32>
    %exp3A = math.exp %sub3A_11 : vector<2048x8xf32>
    %reduce_sum3A = arith.constant dense<0.000000e+00> : vector<2048xf32>
    %reduce_sum3A_12 = vector.multi_reduction <add>, %exp3A, %reduce_sum3A [1] : vector<2048x8xf32> to vector<2048xf32>
    %broadcast_in_dim3A_13 = vector.shape_cast %reduce_sum3A_12 : vector<2048xf32> to vector<2048x1xf32>
    %div3A = vector.broadcast %broadcast_in_dim3A_13 : vector<2048x1xf32> to vector<2048x8xf32>
    %div3A_14 = arith.divf %exp3A, %div3A : vector<2048x8xf32>
    %iota3A = tpu.iota {dimensions = array<i32: 1>} : vector<2048x8xi32>
    %reduce_max3A_15 = arith.constant dense<0xFF800000> : vector<2048xf32>
    %reduce_max3A_16 = vector.multi_reduction <maximumf>, %div3A_14, %reduce_max3A_15 [1] : vector<2048x8xf32> to vector<2048xf32>
    %broadcast_in_dim3A_17 = vector.shape_cast %reduce_max3A_16 : vector<2048xf32> to vector<2048x1xf32>
    %eq3A = vector.broadcast %broadcast_in_dim3A_17 : vector<2048x1xf32> to vector<2048x8xf32>
    %eq3A_18 = arith.cmpf oeq, %div3A_14, %eq3A : vector<2048x8xf32>
    %jit3A = arith.constant 8 : i32
    %broadcast_in_dim3A_19 = vector.broadcast %jit3A : i32 to vector<2048x8xi32>
    %select_n3A = arith.select %eq3A_18, %iota3A, %broadcast_in_dim3A_19 : vector<2048x8xi1>, vector<2048x8xi32>
    %reduce_min3A = arith.constant dense<2147483647> : vector<2048xi32>
    %reduce_min3A_20 = vector.multi_reduction <minsi>, %select_n3A, %reduce_min3A [1] : vector<2048x8xi32> to vector<2048xi32>
    %broadcast_in_dim3A_21 = vector.shape_cast %reduce_min3A_20 : vector<2048xi32> to vector<2048x1xi32>
    %eq3A_22 = vector.broadcast %broadcast_in_dim3A_21 : vector<2048x1xi32> to vector<2048x8xi32>
    %eq3A_23 = arith.cmpi eq, %iota3A, %eq3A_22 : vector<2048x8xi32>
    %jit3A_24 = arith.constant -1.000000e+00 : f32
    %broadcast_in_dim3A_25 = vector.broadcast %jit3A_24 : f32 to vector<2048x8xf32>
    %select_n3A_26 = arith.select %eq3A_23, %broadcast_in_dim3A_25, %div3A_14 : vector<2048x8xi1>, vector<2048x8xf32>
    %reduce_max3A_27 = arith.constant dense<0xFF800000> : vector<2048xf32>
    %reduce_max3A_28 = vector.multi_reduction <maximumf>, %select_n3A_26, %reduce_max3A_27 [1] : vector<2048x8xf32> to vector<2048xf32>
    %broadcast_in_dim3A_29 = vector.shape_cast %reduce_max3A_28 : vector<2048xf32> to vector<2048x1xf32>
    %eq3A_30 = vector.broadcast %broadcast_in_dim3A_29 : vector<2048x1xf32> to vector<2048x8xf32>
    %eq3A_31 = arith.cmpf oeq, %select_n3A_26, %eq3A_30 : vector<2048x8xf32>
    %jit3A_32 = arith.constant 8 : i32
    %broadcast_in_dim3A_33 = vector.broadcast %jit3A_32 : i32 to vector<2048x8xi32>
    %select_n3A_34 = arith.select %eq3A_31, %iota3A, %broadcast_in_dim3A_33 : vector<2048x8xi1>, vector<2048x8xi32>
    %reduce_min3A_35 = arith.constant dense<2147483647> : vector<2048xi32>
    %reduce_min3A_36 = vector.multi_reduction <minsi>, %select_n3A_34, %reduce_min3A_35 [1] : vector<2048x8xi32> to vector<2048xi32>
    %broadcast_in_dim3A_37 = vector.shape_cast %reduce_min3A_36 : vector<2048xi32> to vector<2048x1xi32>
    %eq3A_38 = vector.broadcast %broadcast_in_dim3A_37 : vector<2048x1xi32> to vector<2048x8xi32>
    %eq3A_39 = arith.cmpi eq, %iota3A, %eq3A_38 : vector<2048x8xi32>
    %add3A_40 = arith.addf %broadcast_in_dim3A_17, %broadcast_in_dim3A_29 : vector<2048x1xf32>
    %div3A_41 = arith.divf %broadcast_in_dim3A_17, %add3A_40 : vector<2048x1xf32>
    %swap3A = arith.constant 0 : index
    %swap3A_42 = arith.constant 0 : index
    %swap3A_43 = vector.load %arg5[%swap3A, %swap3A_42] : memref<2048x1xf32, #tpu.memory_space<vmem>>, vector<2048x1xf32>
    tpu.vector_store %arg5[%swap3A, %swap3A_42], %div3A_41 {strides = array<i32>} : memref<2048x1xf32, #tpu.memory_space<vmem>>, vector<2048x1xf32>,
    %div3A_44 = arith.divf %broadcast_in_dim3A_29, %add3A_40 : vector<2048x1xf32>
    %swap3A_45 = arith.constant 0 : index
    %swap3A_46 = arith.constant 0 : index
    %swap3A_47 = vector.load %arg6[%swap3A_45, %swap3A_46] : memref<2048x1xf32, #tpu.memory_space<vmem>>, vector<2048x1xf32>
    tpu.vector_store %arg6[%swap3A_45, %swap3A_46], %div3A_44 {strides = array<i32>} : memref<2048x1xf32, #tpu.memory_space<vmem>>, vector<2048x1xf32>,
    %or3A = arith.ori %eq3A_23, %eq3A_39 : vector<2048x8xi1>
    %jit3A_48 = arith.constant 1.000000e+00 : f32
    %jit3A_49 = arith.constant 0.000000e+00 : f32
    %broadcast_in_dim3A_50 = vector.broadcast %jit3A_48 : f32 to vector<2048x8xf32>
    %broadcast_in_dim3A_51 = vector.broadcast %jit3A_49 : f32 to vector<2048x8xf32>
    %select_n3A_52 = arith.select %or3A, %broadcast_in_dim3A_50, %broadcast_in_dim3A_51 : vector<2048x8xi1>, vector<2048x8xf32>
    %convert_element_type3A = arith.truncf %select_n3A_52 : vector<2048x8xf32> to vector<2048x8xbf16>
    %iota3A_53 = tpu.iota {dimensions = array<i32: 0>} : vector<128x128xi32>
    %iota3A_54 = tpu.iota {dimensions = array<i32: 1>} : vector<128x128xi32>
    %ge3A = arith.cmpi sge, %iota3A_53, %iota3A_54 : vector<128x128xi32>
    %jit3A_55 = arith.constant 1.000000e+00 : f32
    %jit3A_56 = arith.constant 0.000000e+00 : f32
    %broadcast_in_dim3A_57 = vector.broadcast %jit3A_55 : f32 to vector<128x128xf32>
    %broadcast_in_dim3A_58 = vector.broadcast %jit3A_56 : f32 to vector<128x128xf32>
    %select_n3A_59 = arith.select %ge3A, %broadcast_in_dim3A_57, %broadcast_in_dim3A_58 : vector<128x128xi1>, vector<128x128xf32>
    %convert_element_type3A_60 = arith.truncf %select_n3A_59 : vector<128x128xf32> to vector<128x128xbf16>
    %slice3A = vector.extract_strided_slice %convert_element_type3A {offsets = [0, 0], sizes = [128, 8], strides = [1, 1]} : vector<2048x8xbf16> to vector<128x8xbf16>
    %dot_general3A_61 = arith.constant dense<0.000000e+00> : vector<128x8xf32>
    %dot_general3A_62 = tpu.matmul %convert_element_type3A_60, %slice3A, %dot_general3A_61 {dimension_numbers = #tpu.dot_dimension_numbers<[1], [0], [0], [1], [0, 0, 1, 1], [], []>, transpose_lhs_hint = false} : vector<128x128xbf16>, vector<128x8xbf16>, vector<128x8xf32> -> vector<128x8xf32>
    %slice3A_63 = vector.extract_strided_slice %convert_element_type3A {offsets = [128, 0], sizes = [128, 8], strides = [1, 1]} : vector<2048x8xbf16> to vector<128x8xbf16>
    %dot_general3A_64 = arith.constant dense<0.000000e+00> : vector<128x8xf32>
    %dot_general3A_65 = tpu.matmul %convert_element_type3A_60, %slice3A_63, %dot_general3A_64 {dimension_numbers = #tpu.dot_dimension_numbers<[1], [0], [0], [1], [0, 0, 1, 1], [], []>, transpose_lhs_hint = false} : vector<128x128xbf16>, vector<128x8xbf16>, vector<128x8xf32> -> vector<128x8xf32>
    %slice3A_66 = vector.extract_strided_slice %convert_element_type3A {offsets = [256, 0], sizes = [128, 8], strides = [1, 1]} : vector<2048x8xbf16> to vector<128x8xbf16>
    %dot_general3A_67 = arith.constant dense<0.000000e+00> : vector<128x8xf32>
    %dot_general3A_68 = tpu.matmul %convert_element_type3A_60, %slice3A_66, %dot_general3A_67 {dimension_numbers = #tpu.dot_dimension_numbers<[1], [0], [0], [1], [0, 0, 1, 1], [], []>, transpose_lhs_hint = false} : vector<128x128xbf16>, vector<128x8xbf16>, vector<128x8xf32> -> vector<128x8xf32>
    %slice3A_69 = vector.extract_strided_slice %convert_element_type3A {offsets = [384, 0], sizes = [128, 8], strides = [1, 1]} : vector<2048x8xbf16> to vector<128x8xbf16>
    %dot_general3A_70 = arith.constant dense<0.000000e+00> : vector<128x8xf32>
    %dot_general3A_71 = tpu.matmul %convert_element_type3A_60, %slice3A_69, %dot_general3A_70 {dimension_numbers = #tpu.dot_dimension_numbers<[1], [0], [0], [1], [0, 0, 1, 1], [], []>, transpose_lhs_hint = false} : vector<128x128xbf16>, vector<128x8xbf16>, vector<128x8xf32> -> vector<128x8xf32>
    %slice3A_72 = vector.extract_strided_slice %convert_element_type3A {offsets = [512, 0], sizes = [128, 8], strides = [1, 1]} : vector<2048x8xbf16> to vector<128x8xbf16>
    %dot_general3A_73 = arith.constant dense<0.000000e+00> : vector<128x8xf32>
    %dot_general3A_74 = tpu.matmul %convert_element_type3A_60, %slice3A_72, %dot_general3A_73 {dimension_numbers = #tpu.dot_dimension_numbers<[1], [0], [0], [1], [0, 0, 1, 1], [], []>, transpose_lhs_hint = false} : vector<128x128xbf16>, vector<128x8xbf16>, vector<128x8xf32> -> vector<128x8xf32>
    %slice3A_75 = vector.extract_strided_slice %convert_element_type3A {offsets = [640, 0], sizes = [128, 8], strides = [1, 1]} : vector<2048x8xbf16> to vector<128x8xbf16>
    %dot_general3A_76 = arith.constant dense<0.000000e+00> : vector<128x8xf32>
    %dot_general3A_77 = tpu.matmul %convert_element_type3A_60, %slice3A_75, %dot_general3A_76 {dimension_numbers = #tpu.dot_dimension_numbers<[1], [0], [0], [1], [0, 0, 1, 1], [], []>, transpose_lhs_hint = false} : vector<128x128xbf16>, vector<128x8xbf16>, vector<128x8xf32> -> vector<128x8xf32>
    %slice3A_78 = vector.extract_strided_slice %convert_element_type3A {offsets = [768, 0], sizes = [128, 8], strides = [1, 1]} : vector<2048x8xbf16> to vector<128x8xbf16>
    %dot_general3A_79 = arith.constant dense<0.000000e+00> : vector<128x8xf32>
    %dot_general3A_80 = tpu.matmul %convert_element_type3A_60, %slice3A_78, %dot_general3A_79 {dimension_numbers = #tpu.dot_dimension_numbers<[1], [0], [0], [1], [0, 0, 1, 1], [], []>, transpose_lhs_hint = false} : vector<128x128xbf16>, vector<128x8xbf16>, vector<128x8xf32> -> vector<128x8xf32>
    %slice3A_81 = vector.extract_strided_slice %convert_element_type3A {offsets = [896, 0], sizes = [128, 8], strides = [1, 1]} : vector<2048x8xbf16> to vector<128x8xbf16>
    %dot_general3A_82 = arith.constant dense<0.000000e+00> : vector<128x8xf32>
    %dot_general3A_83 = tpu.matmul %convert_element_type3A_60, %slice3A_81, %dot_general3A_82 {dimension_numbers = #tpu.dot_dimension_numbers<[1], [0], [0], [1], [0, 0, 1, 1], [], []>, transpose_lhs_hint = false} : vector<128x128xbf16>, vector<128x8xbf16>, vector<128x8xf32> -> vector<128x8xf32>
    %slice3A_84 = vector.extract_strided_slice %convert_element_type3A {offsets = [1024, 0], sizes = [128, 8], strides = [1, 1]} : vector<2048x8xbf16> to vector<128x8xbf16>
    %dot_general3A_85 = arith.constant dense<0.000000e+00> : vector<128x8xf32>
    %dot_general3A_86 = tpu.matmul %convert_element_type3A_60, %slice3A_84, %dot_general3A_85 {dimension_numbers = #tpu.dot_dimension_numbers<[1], [0], [0], [1], [0, 0, 1, 1], [], []>, transpose_lhs_hint = false} : vector<128x128xbf16>, vector<128x8xbf16>, vector<128x8xf32> -> vector<128x8xf32>
    %slice3A_87 = vector.extract_strided_slice %convert_element_type3A {offsets = [1152, 0], sizes = [128, 8], strides = [1, 1]} : vector<2048x8xbf16> to vector<128x8xbf16>
    %dot_general3A_88 = arith.constant dense<0.000000e+00> : vector<128x8xf32>
    %dot_general3A_89 = tpu.matmul %convert_element_type3A_60, %slice3A_87, %dot_general3A_88 {dimension_numbers = #tpu.dot_dimension_numbers<[1], [0], [0], [1], [0, 0, 1, 1], [], []>, transpose_lhs_hint = false} : vector<128x128xbf16>, vector<128x8xbf16>, vector<128x8xf32> -> vector<128x8xf32>
    %slice3A_90 = vector.extract_strided_slice %convert_element_type3A {offsets = [1280, 0], sizes = [128, 8], strides = [1, 1]} : vector<2048x8xbf16> to vector<128x8xbf16>
    %dot_general3A_91 = arith.constant dense<0.000000e+00> : vector<128x8xf32>
    %dot_general3A_92 = tpu.matmul %convert_element_type3A_60, %slice3A_90, %dot_general3A_91 {dimension_numbers = #tpu.dot_dimension_numbers<[1], [0], [0], [1], [0, 0, 1, 1], [], []>, transpose_lhs_hint = false} : vector<128x128xbf16>, vector<128x8xbf16>, vector<128x8xf32> -> vector<128x8xf32>
    %slice3A_93 = vector.extract_strided_slice %convert_element_type3A {offsets = [1408, 0], sizes = [128, 8], strides = [1, 1]} : vector<2048x8xbf16> to vector<128x8xbf16>
    %dot_general3A_94 = arith.constant dense<0.000000e+00> : vector<128x8xf32>
    %dot_general3A_95 = tpu.matmul %convert_element_type3A_60, %slice3A_93, %dot_general3A_94 {dimension_numbers = #tpu.dot_dimension_numbers<[1], [0], [0], [1], [0, 0, 1, 1], [], []>, transpose_lhs_hint = false} : vector<128x128xbf16>, vector<128x8xbf16>, vector<128x8xf32> -> vector<128x8xf32>
    %slice3A_96 = vector.extract_strided_slice %convert_element_type3A {offsets = [1536, 0], sizes = [128, 8], strides = [1, 1]} : vector<2048x8xbf16> to vector<128x8xbf16>
    %dot_general3A_97 = arith.constant dense<0.000000e+00> : vector<128x8xf32>
    %dot_general3A_98 = tpu.matmul %convert_element_type3A_60, %slice3A_96, %dot_general3A_97 {dimension_numbers = #tpu.dot_dimension_numbers<[1], [0], [0], [1], [0, 0, 1, 1], [], []>, transpose_lhs_hint = false} : vector<128x128xbf16>, vector<128x8xbf16>, vector<128x8xf32> -> vector<128x8xf32>
    %slice3A_99 = vector.extract_strided_slice %convert_element_type3A {offsets = [1664, 0], sizes = [128, 8], strides = [1, 1]} : vector<2048x8xbf16> to vector<128x8xbf16>
    %dot_general3A_100 = arith.constant dense<0.000000e+00> : vector<128x8xf32>
    %dot_general3A_101 = tpu.matmul %convert_element_type3A_60, %slice3A_99, %dot_general3A_100 {dimension_numbers = #tpu.dot_dimension_numbers<[1], [0], [0], [1], [0, 0, 1, 1], [], []>, transpose_lhs_hint = false} : vector<128x128xbf16>, vector<128x8xbf16>, vector<128x8xf32> -> vector<128x8xf32>
    %slice3A_102 = vector.extract_strided_slice %convert_element_type3A {offsets = [1792, 0], sizes = [128, 8], strides = [1, 1]} : vector<2048x8xbf16> to vector<128x8xbf16>
    %dot_general3A_103 = arith.constant dense<0.000000e+00> : vector<128x8xf32>
    %dot_general3A_104 = tpu.matmul %convert_element_type3A_60, %slice3A_102, %dot_general3A_103 {dimension_numbers = #tpu.dot_dimension_numbers<[1], [0], [0], [1], [0, 0, 1, 1], [], []>, transpose_lhs_hint = false} : vector<128x128xbf16>, vector<128x8xbf16>, vector<128x8xf32> -> vector<128x8xf32>
    %slice3A_105 = vector.extract_strided_slice %convert_element_type3A {offsets = [1920, 0], sizes = [128, 8], strides = [1, 1]} : vector<2048x8xbf16> to vector<128x8xbf16>
    %dot_general3A_106 = arith.constant dense<0.000000e+00> : vector<128x8xf32>
    %dot_general3A_107 = tpu.matmul %convert_element_type3A_60, %slice3A_105, %dot_general3A_106 {dimension_numbers = #tpu.dot_dimension_numbers<[1], [0], [0], [1], [0, 0, 1, 1], [], []>, transpose_lhs_hint = false} : vector<128x128xbf16>, vector<128x8xbf16>, vector<128x8xf32> -> vector<128x8xf32>
    %slice3A_108 = vector.extract_strided_slice %dot_general3A_62 {offsets = [127, 0], sizes = [1, 8], strides = [1, 1]} : vector<128x8xf32> to vector<1x8xf32>
    %slice3A_109 = vector.extract_strided_slice %dot_general3A_65 {offsets = [127, 0], sizes = [1, 8], strides = [1, 1]} : vector<128x8xf32> to vector<1x8xf32>
    %slice3A_110 = vector.extract_strided_slice %dot_general3A_68 {offsets = [127, 0], sizes = [1, 8], strides = [1, 1]} : vector<128x8xf32> to vector<1x8xf32>
    %slice3A_111 = vector.extract_strided_slice %dot_general3A_71 {offsets = [127, 0], sizes = [1, 8], strides = [1, 1]} : vector<128x8xf32> to vector<1x8xf32>
    %slice3A_112 = vector.extract_strided_slice %dot_general3A_74 {offsets = [127, 0], sizes = [1, 8], strides = [1, 1]} : vector<128x8xf32> to vector<1x8xf32>
    %slice3A_113 = vector.extract_strided_slice %dot_general3A_77 {offsets = [127, 0], sizes = [1, 8], strides = [1, 1]} : vector<128x8xf32> to vector<1x8xf32>
    %slice3A_114 = vector.extract_strided_slice %dot_general3A_80 {offsets = [127, 0], sizes = [1, 8], strides = [1, 1]} : vector<128x8xf32> to vector<1x8xf32>
    %slice3A_115 = vector.extract_strided_slice %dot_general3A_83 {offsets = [127, 0], sizes = [1, 8], strides = [1, 1]} : vector<128x8xf32> to vector<1x8xf32>
    %slice3A_116 = vector.extract_strided_slice %dot_general3A_86 {offsets = [127, 0], sizes = [1, 8], strides = [1, 1]} : vector<128x8xf32> to vector<1x8xf32>
    %slice3A_117 = vector.extract_strided_slice %dot_general3A_89 {offsets = [127, 0], sizes = [1, 8], strides = [1, 1]} : vector<128x8xf32> to vector<1x8xf32>
    %slice3A_118 = vector.extract_strided_slice %dot_general3A_92 {offsets = [127, 0], sizes = [1, 8], strides = [1, 1]} : vector<128x8xf32> to vector<1x8xf32>
    %slice3A_119 = vector.extract_strided_slice %dot_general3A_95 {offsets = [127, 0], sizes = [1, 8], strides = [1, 1]} : vector<128x8xf32> to vector<1x8xf32>
    %slice3A_120 = vector.extract_strided_slice %dot_general3A_98 {offsets = [127, 0], sizes = [1, 8], strides = [1, 1]} : vector<128x8xf32> to vector<1x8xf32>
    %slice3A_121 = vector.extract_strided_slice %dot_general3A_101 {offsets = [127, 0], sizes = [1, 8], strides = [1, 1]} : vector<128x8xf32> to vector<1x8xf32>
    %slice3A_122 = vector.extract_strided_slice %dot_general3A_104 {offsets = [127, 0], sizes = [1, 8], strides = [1, 1]} : vector<128x8xf32> to vector<1x8xf32>
    %slice3A_123 = vector.extract_strided_slice %dot_general3A_107 {offsets = [127, 0], sizes = [1, 8], strides = [1, 1]} : vector<128x8xf32> to vector<1x8xf32>
    %concatenate3A = tpu.concatenate %slice3A_108, %slice3A_109, %slice3A_110, %slice3A_111, %slice3A_112, %slice3A_113, %slice3A_114, %slice3A_115, %slice3A_116, %slice3A_117, %slice3A_118, %slice3A_119, %slice3A_120, %slice3A_121, %slice3A_122, %slice3A_123 in 0 : vector<1x8xf32>, vector<1x8xf32>, vector<1x8xf32>, vector<1x8xf32>, vector<1x8xf32>, vector<1x8xf32>, vector<1x8xf32>, vector<1x8xf32>, vector<1x8xf32>, vector<1x8xf32>, vector<1x8xf32>, vector<1x8xf32>, vector<1x8xf32>, vector<1x8xf32>, vector<1x8xf32>, vector<1x8xf32> -> vector<16x8xf32>
    %iota3A_124 = tpu.iota {dimensions = array<i32: 0>} : vector<16x16xi32>
    %iota3A_125 = tpu.iota {dimensions = array<i32: 1>} : vector<16x16xi32>
    %gt3A = arith.cmpi sgt, %iota3A_124, %iota3A_125 : vector<16x16xi32>
    %jit3A_126 = arith.constant 1.000000e+00 : f32
    %jit3A_127 = arith.constant 0.000000e+00 : f32
    %broadcast_in_dim3A_128 = vector.broadcast %jit3A_126 : f32 to vector<16x16xf32>
    %broadcast_in_dim3A_129 = vector.broadcast %jit3A_127 : f32 to vector<16x16xf32>
    %select_n3A_130 = arith.select %gt3A, %broadcast_in_dim3A_128, %broadcast_in_dim3A_129 : vector<16x16xi1>, vector<16x16xf32>
    %dot_general3A_131 = arith.constant dense<0.000000e+00> : vector<16x8xf32>
    %dot_general3A_132 = tpu.matmul %select_n3A_130, %concatenate3A, %dot_general3A_131 {dimension_numbers = #tpu.dot_dimension_numbers<[1], [0], [0], [1], [0, 0, 1, 1], [], []>, precision = #tpu.contract_precision<fp32>, transpose_lhs_hint = false} : vector<16x16xf32>, vector<16x8xf32>, vector<16x8xf32> -> vector<16x8xf32>
    %slice3A_133 = vector.extract_strided_slice %dot_general3A_132 {offsets = [0, 0], sizes = [1, 8], strides = [1, 1]} : vector<16x8xf32> to vector<1x8xf32>
    %add3A_134 = vector.broadcast %slice3A_133 : vector<1x8xf32> to vector<128x8xf32>
    %add3A_135 = arith.addf %dot_general3A_62, %add3A_134 : vector<128x8xf32>
    %slice3A_136 = vector.extract_strided_slice %dot_general3A_132 {offsets = [1, 0], sizes = [1, 8], strides = [1, 1]} : vector<16x8xf32> to vector<1x8xf32>
    %add3A_137 = vector.broadcast %slice3A_136 : vector<1x8xf32> to vector<128x8xf32>
    %add3A_138 = arith.addf %dot_general3A_65, %add3A_137 : vector<128x8xf32>
    %slice3A_139 = vector.extract_strided_slice %dot_general3A_132 {offsets = [2, 0], sizes = [1, 8], strides = [1, 1]} : vector<16x8xf32> to vector<1x8xf32>
    %add3A_140 = vector.broadcast %slice3A_139 : vector<1x8xf32> to vector<128x8xf32>
    %add3A_141 = arith.addf %dot_general3A_68, %add3A_140 : vector<128x8xf32>
    %slice3A_142 = vector.extract_strided_slice %dot_general3A_132 {offsets = [3, 0], sizes = [1, 8], strides = [1, 1]} : vector<16x8xf32> to vector<1x8xf32>
    %add3A_143 = vector.broadcast %slice3A_142 : vector<1x8xf32> to vector<128x8xf32>
    %add3A_144 = arith.addf %dot_general3A_71, %add3A_143 : vector<128x8xf32>
    %slice3A_145 = vector.extract_strided_slice %dot_general3A_132 {offsets = [4, 0], sizes = [1, 8], strides = [1, 1]} : vector<16x8xf32> to vector<1x8xf32>
    %add3A_146 = vector.broadcast %slice3A_145 : vector<1x8xf32> to vector<128x8xf32>
    %add3A_147 = arith.addf %dot_general3A_74, %add3A_146 : vector<128x8xf32>
    %slice3A_148 = vector.extract_strided_slice %dot_general3A_132 {offsets = [5, 0], sizes = [1, 8], strides = [1, 1]} : vector<16x8xf32> to vector<1x8xf32>
    %add3A_149 = vector.broadcast %slice3A_148 : vector<1x8xf32> to vector<128x8xf32>
    %add3A_150 = arith.addf %dot_general3A_77, %add3A_149 : vector<128x8xf32>
    %slice3A_151 = vector.extract_strided_slice %dot_general3A_132 {offsets = [6, 0], sizes = [1, 8], strides = [1, 1]} : vector<16x8xf32> to vector<1x8xf32>
    %add3A_152 = vector.broadcast %slice3A_151 : vector<1x8xf32> to vector<128x8xf32>
    %add3A_153 = arith.addf %dot_general3A_80, %add3A_152 : vector<128x8xf32>
    %slice3A_154 = vector.extract_strided_slice %dot_general3A_132 {offsets = [7, 0], sizes = [1, 8], strides = [1, 1]} : vector<16x8xf32> to vector<1x8xf32>
    %add3A_155 = vector.broadcast %slice3A_154 : vector<1x8xf32> to vector<128x8xf32>
    %add3A_156 = arith.addf %dot_general3A_83, %add3A_155 : vector<128x8xf32>
    %slice3A_157 = vector.extract_strided_slice %dot_general3A_132 {offsets = [8, 0], sizes = [1, 8], strides = [1, 1]} : vector<16x8xf32> to vector<1x8xf32>
    %add3A_158 = vector.broadcast %slice3A_157 : vector<1x8xf32> to vector<128x8xf32>
    %add3A_159 = arith.addf %dot_general3A_86, %add3A_158 : vector<128x8xf32>
    %slice3A_160 = vector.extract_strided_slice %dot_general3A_132 {offsets = [9, 0], sizes = [1, 8], strides = [1, 1]} : vector<16x8xf32> to vector<1x8xf32>
    %add3A_161 = vector.broadcast %slice3A_160 : vector<1x8xf32> to vector<128x8xf32>
    %add3A_162 = arith.addf %dot_general3A_89, %add3A_161 : vector<128x8xf32>
    %slice3A_163 = vector.extract_strided_slice %dot_general3A_132 {offsets = [10, 0], sizes = [1, 8], strides = [1, 1]} : vector<16x8xf32> to vector<1x8xf32>
    %add3A_164 = vector.broadcast %slice3A_163 : vector<1x8xf32> to vector<128x8xf32>
    %add3A_165 = arith.addf %dot_general3A_92, %add3A_164 : vector<128x8xf32>
    %slice3A_166 = vector.extract_strided_slice %dot_general3A_132 {offsets = [11, 0], sizes = [1, 8], strides = [1, 1]} : vector<16x8xf32> to vector<1x8xf32>
    %add3A_167 = vector.broadcast %slice3A_166 : vector<1x8xf32> to vector<128x8xf32>
    %add3A_168 = arith.addf %dot_general3A_95, %add3A_167 : vector<128x8xf32>
    %slice3A_169 = vector.extract_strided_slice %dot_general3A_132 {offsets = [12, 0], sizes = [1, 8], strides = [1, 1]} : vector<16x8xf32> to vector<1x8xf32>
    %add3A_170 = vector.broadcast %slice3A_169 : vector<1x8xf32> to vector<128x8xf32>
    %add3A_171 = arith.addf %dot_general3A_98, %add3A_170 : vector<128x8xf32>
    %slice3A_172 = vector.extract_strided_slice %dot_general3A_132 {offsets = [13, 0], sizes = [1, 8], strides = [1, 1]} : vector<16x8xf32> to vector<1x8xf32>
    %add3A_173 = vector.broadcast %slice3A_172 : vector<1x8xf32> to vector<128x8xf32>
    %add3A_174 = arith.addf %dot_general3A_101, %add3A_173 : vector<128x8xf32>
    %slice3A_175 = vector.extract_strided_slice %dot_general3A_132 {offsets = [14, 0], sizes = [1, 8], strides = [1, 1]} : vector<16x8xf32> to vector<1x8xf32>
    %add3A_176 = vector.broadcast %slice3A_175 : vector<1x8xf32> to vector<128x8xf32>
    %add3A_177 = arith.addf %dot_general3A_104, %add3A_176 : vector<128x8xf32>
    %slice3A_178 = vector.extract_strided_slice %dot_general3A_132 {offsets = [15, 0], sizes = [1, 8], strides = [1, 1]} : vector<16x8xf32> to vector<1x8xf32>
    %add3A_179 = vector.broadcast %slice3A_178 : vector<1x8xf32> to vector<128x8xf32>
    %add3A_180 = arith.addf %dot_general3A_107, %add3A_179 : vector<128x8xf32>
    %concatenate3A_181 = tpu.concatenate %add3A_135, %add3A_138, %add3A_141, %add3A_144, %add3A_147, %add3A_150, %add3A_153, %add3A_156, %add3A_159, %add3A_162, %add3A_165, %add3A_168, %add3A_171, %add3A_174, %add3A_177, %add3A_180 in 0 : vector<128x8xf32>, vector<128x8xf32>, vector<128x8xf32>, vector<128x8xf32>, vector<128x8xf32>, vector<128x8xf32>, vector<128x8xf32>, vector<128x8xf32>, vector<128x8xf32>, vector<128x8xf32>, vector<128x8xf32>, vector<128x8xf32>, vector<128x8xf32>, vector<128x8xf32>, vector<128x8xf32>, vector<128x8xf32> -> vector<2048x8xf32>
    %convert_element_type3A_182 = arith.extf %convert_element_type3A : vector<2048x8xbf16> to vector<2048x8xf32>
    %sub3A_183 = arith.subf %concatenate3A_181, %convert_element_type3A_182 : vector<2048x8xf32>
    %slice3A_184 = vector.extract_strided_slice %dot_general3A_132 {offsets = [15, 0], sizes = [1, 8], strides = [1, 1]} : vector<16x8xf32> to vector<1x8xf32>
    %slice3A_185 = vector.extract_strided_slice %concatenate3A {offsets = [15, 0], sizes = [1, 8], strides = [1, 1]} : vector<16x8xf32> to vector<1x8xf32>
    %add3A_186 = arith.addf %slice3A_184, %slice3A_185 : vector<1x8xf32>
    %convert_element_type3A_187 = arith.fptosi %add3A_186 : vector<1x8xf32> to vector<1x8xi32>
    %add3A_188 = arith.constant 511 : i32
    %add3A_189 = vector.broadcast %add3A_188 : i32 to vector<1x8xi32>
    %add3A_190 = arith.addi %convert_element_type3A_187, %add3A_189 : vector<1x8xi32>
    %shift_right_arithmetic3A = arith.constant 9 : i32
    %shift_right_arithmetic3A_191 = vector.broadcast %shift_right_arithmetic3A : i32 to vector<1x8xi32>
    %shift_right_arithmetic3A_192 = arith.shrsi %add3A_190, %shift_right_arithmetic3A_191 : vector<1x8xi32>
    %shift_left3A = arith.constant 9 : i32
    %shift_left3A_193 = vector.broadcast %shift_left3A : i32 to vector<1x8xi32>
    %shift_left3A_194 = arith.shli %shift_right_arithmetic3A_192, %shift_left3A_193 : vector<1x8xi32>
    %iota3A_195 = tpu.iota {dimensions = array<i32: 0>} : vector<8x8xi32>
    %iota3A_196 = tpu.iota {dimensions = array<i32: 1>} : vector<8x8xi32>
    %lt3A = arith.cmpi slt, %iota3A_195, %iota3A_196 : vector<8x8xi32>
    %jit3A_197 = arith.constant 1.000000e+00 : f32
    %jit3A_198 = arith.constant 0.000000e+00 : f32
    %broadcast_in_dim3A_199 = vector.broadcast %jit3A_197 : f32 to vector<8x8xf32>
    %broadcast_in_dim3A_200 = vector.broadcast %jit3A_198 : f32 to vector<8x8xf32>
    %select_n3A_201 = arith.select %lt3A, %broadcast_in_dim3A_199, %broadcast_in_dim3A_200 : vector<8x8xi1>, vector<8x8xf32>
    %convert_element_type3A_202 = arith.sitofp %shift_left3A_194 : vector<1x8xi32> to vector<1x8xf32>
    %dot_general3A_203 = arith.constant dense<0.000000e+00> : vector<1x8xf32>
    %dot_general3A_204 = tpu.matmul %convert_element_type3A_202, %select_n3A_201, %dot_general3A_203 {dimension_numbers = #tpu.dot_dimension_numbers<[1], [0], [0], [1], [0, 0, 1, 1], [], []>, transpose_lhs_hint = false} : vector<1x8xf32>, vector<8x8xf32>, vector<1x8xf32> -> vector<1x8xf32>
    %broadcast_in_dim3A_205 = vector.shape_cast %dot_general3A_204 : vector<1x8xf32> to vector<1x8xf32>
    %broadcast_in_dim3A_206 = vector.broadcast %broadcast_in_dim3A_205 : vector<1x8xf32> to vector<2048x8xf32>
    %add3A_207 = arith.addf %broadcast_in_dim3A_206, %sub3A_183 : vector<2048x8xf32>
    %jit3A_208 = arith.constant 0.000000e+00 : f32
    %broadcast_in_dim3A_209 = vector.broadcast %jit3A_208 : f32 to vector<2048x8xf32>
    %select_n3A_210 = arith.select %eq3A_23, %add3A_207, %broadcast_in_dim3A_209 : vector<2048x8xi1>, vector<2048x8xf32>
    %reduce_sum3A_211 = arith.constant dense<0.000000e+00> : vector<2048xf32>
    %reduce_sum3A_212 = vector.multi_reduction <add>, %select_n3A_210, %reduce_sum3A_211 [1] : vector<2048x8xf32> to vector<2048xf32>
    %broadcast_in_dim3A_213 = vector.shape_cast %reduce_sum3A_212 : vector<2048xf32> to vector<2048x1xf32>
    %convert_element_type3A_214 = arith.fptosi %broadcast_in_dim3A_213 : vector<2048x1xf32> to vector<2048x1xi32>
    %swap3A_215 = arith.constant 0 : index
    %swap3A_216 = arith.constant 0 : index
    %swap3A_217 = vector.load %arg3[%swap3A_215, %swap3A_216] : memref<2048x1xi32, #tpu.memory_space<vmem>>, vector<2048x1xi32>
    tpu.vector_store %arg3[%swap3A_215, %swap3A_216], %convert_element_type3A_214 {strides = array<i32>} : memref<2048x1xi32, #tpu.memory_space<vmem>>, vector<2048x1xi32>,
    %jit3A_218 = arith.constant 0.000000e+00 : f32
    %broadcast_in_dim3A_219 = vector.broadcast %jit3A_218 : f32 to vector<2048x8xf32>
    %select_n3A_220 = arith.select %eq3A_39, %add3A_207, %broadcast_in_dim3A_219 : vector<2048x8xi1>, vector<2048x8xf32>
    %reduce_sum3A_221 = arith.constant dense<0.000000e+00> : vector<2048xf32>
    %reduce_sum3A_222 = vector.multi_reduction <add>, %select_n3A_220, %reduce_sum3A_221 [1] : vector<2048x8xf32> to vector<2048xf32>
    %broadcast_in_dim3A_223 = vector.shape_cast %reduce_sum3A_222 : vector<2048xf32> to vector<2048x1xf32>
    %convert_element_type3A_224 = arith.fptosi %broadcast_in_dim3A_223 : vector<2048x1xf32> to vector<2048x1xi32>
    %swap3A_225 = arith.constant 0 : index
    %swap3A_226 = arith.constant 0 : index
    %swap3A_227 = vector.load %arg4[%swap3A_225, %swap3A_226] : memref<2048x1xi32, #tpu.memory_space<vmem>>, vector<2048x1xi32>
    tpu.vector_store %arg4[%swap3A_225, %swap3A_226], %convert_element_type3A_224 {strides = array<i32>} : memref<2048x1xi32, #tpu.memory_space<vmem>>, vector<2048x1xi32>,
    %convert_element_type3A_228 = arith.fptosi %dot_general3A_204 : vector<1x8xf32> to vector<1x8xi32>
    %broadcast_in_dim3A_229 = vector.shape_cast %convert_element_type3A_228 : vector<1x8xi32> to vector<1x8xi32>
    %broadcast_in_dim3A_230 = vector.broadcast %broadcast_in_dim3A_229 : vector<1x8xi32> to vector<8x8xi32>
    %swap3A_231 = arith.constant 0 : index
    %swap3A_232 = arith.constant 0 : index
    %swap3A_233 = vector.load %arg7[%swap3A_231, %swap3A_232] : memref<8x8xi32, #tpu.memory_space<vmem>>, vector<8x8xi32>
    tpu.vector_store %arg7[%swap3A_231, %swap3A_232], %broadcast_in_dim3A_230 {strides = array<i32>} : memref<8x8xi32, #tpu.memory_space<vmem>>, vector<8x8xi32>,
    %broadcast_in_dim3A_234 = vector.shape_cast %shift_left3A_194 : vector<1x8xi32> to vector<1x8xi32>
    %broadcast_in_dim3A_235 = vector.broadcast %broadcast_in_dim3A_234 : vector<1x8xi32> to vector<8x8xi32>
    %swap3A_236 = arith.constant 0 : index
    %swap3A_237 = arith.constant 0 : index
    %swap3A_238 = vector.load %arg8[%swap3A_236, %swap3A_237] : memref<8x8xi32, #tpu.memory_space<vmem>>, vector<8x8xi32>
    tpu.vector_store %arg8[%swap3A_236, %swap3A_237], %broadcast_in_dim3A_235 {strides = array<i32>} : memref<8x8xi32, #tpu.memory_space<vmem>>, vector<8x8xi32>,
    return
  }
}

module attributes {stable_mosaic.version = 14 : i64} {
  func.func @_expert_body(%arg0: i32, %arg1: memref<16xi32, #tpu.memory_space<smem>>, %arg2: memref<16xi32, #tpu.memory_space<smem>>, %arg3: memref<512x1024xf32, #tpu.memory_space<vmem>>, %arg4: memref<1x1024x512xbf16, #tpu.memory_space<vmem>>, %arg5: memref<1x1024x512xbf16, #tpu.memory_space<vmem>>, %arg6: memref<1x512x1024xbf16, #tpu.memory_space<vmem>>, %arg7: memref<512x1024xf32, #tpu.memory_space<vmem>>) attributes {dimension_semantics = [#tpu.dimension_semantics<arbitrary>], iteration_bounds = array<i64: 16>, scalar_prefetch = 2 : i64, scratch_operands = 0 : i64, tpu.core_type = #tpu.core_type<tc>, window_params = [{transform_indices = @transform_0, window_bounds = array<i64: 512, 1024>}, {transform_indices = @transform_1, window_bounds = array<i64: 1, 1024, 512>}, {transform_indices = @transform_2, window_bounds = array<i64: 1, 1024, 512>}, {transform_indices = @transform_3, window_bounds = array<i64: 1, 512, 1024>}, {transform_indices = @transform_4, window_bounds = array<i64: 512, 1024>}]} {
    %get3A = arith.index_cast %arg0 : i32 to index
    %get3A_0 = memref.load %arg2[%get3A] : memref<16xi32, #tpu.memory_space<smem>>
    %eq3A = arith.constant 1 : i32
    %eq3A_1 = arith.cmpi eq, %get3A_0, %eq3A : i32
    %convert_element_type3A = arith.extui %eq3A_1 : i1 to i32
    %cond3A = arith.constant 0 : i32
    %cond3A_2 = arith.cmpi ne, %convert_element_type3A, %cond3A : i32
    scf.if %cond3A_2 {
      %get3A_3 = arith.constant 0 : index
      %get3A_4 = arith.constant 0 : index
      %get3A_5 = vector.load %arg3[%get3A_3, %get3A_4] : memref<512x1024xf32, #tpu.memory_space<vmem>>, vector<512x1024xf32>
      %convert_element_type3A_6 = arith.truncf %get3A_5 : vector<512x1024xf32> to vector<512x1024xbf16>
      %get3A_7 = arith.constant 0 : index
      %get3A_8 = arith.constant 0 : index
      %get3A_9 = arith.constant 0 : index
      %get3A_10 = vector.load %arg4[%get3A_7, %get3A_8, %get3A_9] : memref<1x1024x512xbf16, #tpu.memory_space<vmem>>, vector<1x1024x512xbf16>
      %get3A_11 = vector.shape_cast %get3A_10 : vector<1x1024x512xbf16> to vector<1024x512xbf16>
      %dot_general3A = arith.constant dense<0.000000e+00> : vector<512x512xf32>
      %dot_general3A_12 = tpu.matmul %convert_element_type3A_6, %get3A_11, %dot_general3A {dimension_numbers = #tpu.dot_dimension_numbers<[1], [0], [0], [1], [0, 0, 1, 1], [], []>, transpose_lhs_hint = false} : vector<512x1024xbf16>, vector<1024x512xbf16>, vector<512x512xf32> -> vector<512x512xf32>
      %get3A_13 = arith.constant 0 : index
      %get3A_14 = arith.constant 0 : index
      %get3A_15 = arith.constant 0 : index
      %get3A_16 = vector.load %arg5[%get3A_13, %get3A_14, %get3A_15] : memref<1x1024x512xbf16, #tpu.memory_space<vmem>>, vector<1x1024x512xbf16>
      %get3A_17 = vector.shape_cast %get3A_16 : vector<1x1024x512xbf16> to vector<1024x512xbf16>
      %dot_general3A_18 = arith.constant dense<0.000000e+00> : vector<512x512xf32>
      %dot_general3A_19 = tpu.matmul %convert_element_type3A_6, %get3A_17, %dot_general3A_18 {dimension_numbers = #tpu.dot_dimension_numbers<[1], [0], [0], [1], [0, 0, 1, 1], [], []>, transpose_lhs_hint = false} : vector<512x1024xbf16>, vector<1024x512xbf16>, vector<512x512xf32> -> vector<512x512xf32>
      %neg3A = arith.constant 0.000000e+00 : f32
      %neg3A_20 = vector.broadcast %neg3A : f32 to vector<512x512xf32>
      %neg3A_21 = arith.subf %neg3A_20, %dot_general3A_12 : vector<512x512xf32>
      %exp3A = math.exp %neg3A_21 : vector<512x512xf32>
      %add3A = arith.constant 1.000000e+00 : f32
      %add3A_22 = vector.broadcast %add3A : f32 to vector<512x512xf32>
      %add3A_23 = arith.addf %add3A_22, %exp3A : vector<512x512xf32>
      %div3A = arith.divf %dot_general3A_12, %add3A_23 : vector<512x512xf32>
      %mul3A = arith.mulf %div3A, %dot_general3A_19 : vector<512x512xf32>
      %convert_element_type3A_24 = arith.truncf %mul3A : vector<512x512xf32> to vector<512x512xbf16>
      %get3A_25 = arith.constant 0 : index
      %get3A_26 = arith.constant 0 : index
      %get3A_27 = arith.constant 0 : index
      %get3A_28 = vector.load %arg6[%get3A_25, %get3A_26, %get3A_27] : memref<1x512x1024xbf16, #tpu.memory_space<vmem>>, vector<1x512x1024xbf16>
      %get3A_29 = vector.shape_cast %get3A_28 : vector<1x512x1024xbf16> to vector<512x1024xbf16>
      %dot_general3A_30 = arith.constant dense<0.000000e+00> : vector<512x1024xf32>
      %dot_general3A_31 = tpu.matmul %convert_element_type3A_24, %get3A_29, %dot_general3A_30 {dimension_numbers = #tpu.dot_dimension_numbers<[1], [0], [0], [1], [0, 0, 1, 1], [], []>, transpose_lhs_hint = false} : vector<512x512xbf16>, vector<512x1024xbf16>, vector<512x1024xf32> -> vector<512x1024xf32>
      %swap3A = arith.constant 0 : index
      %swap3A_32 = arith.constant 0 : index
      %swap3A_33 = vector.load %arg7[%swap3A, %swap3A_32] : memref<512x1024xf32, #tpu.memory_space<vmem>>, vector<512x1024xf32>
      tpu.vector_store %arg7[%swap3A, %swap3A_32], %dot_general3A_31 {strides = array<i32>} : memref<512x1024xf32, #tpu.memory_space<vmem>>, vector<512x1024xf32>,
    } else {
    }
    return
  }
  func.func @transform_0(%arg0: i32, %arg1: memref<16xi32, #tpu.memory_space<smem>>, %arg2: memref<16xi32, #tpu.memory_space<smem>>) -> (i32, i32) {
    %get3A = arith.index_cast %arg0 : i32 to index
    %get3A_0 = memref.load %arg2[%get3A] : memref<16xi32, #tpu.memory_space<smem>>
    %eq3A = arith.constant 1 : i32
    %eq3A_1 = arith.cmpi eq, %get3A_0, %eq3A : i32
    %jit3A = arith.constant 0 : i32
    %select_n3A = arith.select %eq3A_1, %arg0, %jit3A : i32
    %c0_i32 = arith.constant 0 : i32
    %c0_i32_2 = arith.constant 0 : i32
    return %select_n3A, %c0_i32 : i32, i32
  }
  func.func @transform_1(%arg0: i32, %arg1: memref<16xi32, #tpu.memory_space<smem>>, %arg2: memref<16xi32, #tpu.memory_space<smem>>) -> (i32, i32, i32) {
    %get3A = arith.index_cast %arg0 : i32 to index
    %get3A_0 = memref.load %arg1[%get3A] : memref<16xi32, #tpu.memory_space<smem>>
    %c0_i32 = arith.constant 0 : i32
    %c0_i32_1 = arith.constant 0 : i32
    %c0_i32_2 = arith.constant 0 : i32
    return %get3A_0, %c0_i32, %c0_i32_1 : i32, i32, i32
  }
  func.func @transform_2(%arg0: i32, %arg1: memref<16xi32, #tpu.memory_space<smem>>, %arg2: memref<16xi32, #tpu.memory_space<smem>>) -> (i32, i32, i32) {
    %get3A = arith.index_cast %arg0 : i32 to index
    %get3A_0 = memref.load %arg1[%get3A] : memref<16xi32, #tpu.memory_space<smem>>
    %c0_i32 = arith.constant 0 : i32
    %c0_i32_1 = arith.constant 0 : i32
    %c0_i32_2 = arith.constant 0 : i32
    return %get3A_0, %c0_i32, %c0_i32_1 : i32, i32, i32
  }
  func.func @transform_3(%arg0: i32, %arg1: memref<16xi32, #tpu.memory_space<smem>>, %arg2: memref<16xi32, #tpu.memory_space<smem>>) -> (i32, i32, i32) {
    %get3A = arith.index_cast %arg0 : i32 to index
    %get3A_0 = memref.load %arg1[%get3A] : memref<16xi32, #tpu.memory_space<smem>>
    %c0_i32 = arith.constant 0 : i32
    %c0_i32_1 = arith.constant 0 : i32
    %c0_i32_2 = arith.constant 0 : i32
    return %get3A_0, %c0_i32, %c0_i32_1 : i32, i32, i32
  }
  func.func @transform_4(%arg0: i32, %arg1: memref<16xi32, #tpu.memory_space<smem>>, %arg2: memref<16xi32, #tpu.memory_space<smem>>) -> (i32, i32) {
    %get3A = arith.index_cast %arg0 : i32 to index
    %get3A_0 = memref.load %arg2[%get3A] : memref<16xi32, #tpu.memory_space<smem>>
    %eq3A = arith.constant 1 : i32
    %eq3A_1 = arith.cmpi eq, %get3A_0, %eq3A : i32
    %jit3A = arith.constant 15 : i32
    %select_n3A = arith.select %eq3A_1, %arg0, %jit3A : i32
    %c0_i32 = arith.constant 0 : i32
    %c0_i32_2 = arith.constant 0 : i32
    return %select_n3A, %c0_i32 : i32, i32
  }
}

module attributes {stable_mosaic.version = 14 : i64} {
  func.func @_shared_body(%arg0: i32, %arg1: memref<512x4096xbf16, #tpu.memory_space<vmem>>, %arg2: memref<512x1024xbf16, #tpu.memory_space<vmem>>, %arg3: memref<4096x512xbf16, #tpu.memory_space<vmem>>, %arg4: memref<1024x512xbf16, #tpu.memory_space<vmem>>, %arg5: memref<512x1024xbf16, #tpu.memory_space<vmem>>, %arg6: memref<512x1024xf32, #tpu.memory_space<vmem>>, %arg7: memref<512x1024xf32, #tpu.memory_space<vmem>>, %arg8: memref<512x1xf32, #tpu.memory_space<vmem>>, %arg9: memref<512x1xf32, #tpu.memory_space<vmem>>, %arg10: memref<512x1024xf32, #tpu.memory_space<vmem>>) attributes {dimension_semantics = [#tpu.dimension_semantics<arbitrary>], iteration_bounds = array<i64: 4>, scalar_prefetch = 0 : i64, scratch_operands = 0 : i64, tpu.core_type = #tpu.core_type<tc>, window_params = [{transform_indices = @transform_0, window_bounds = array<i64: 512, 4096>}, {transform_indices = @transform_1, window_bounds = array<i64: 512, 1024>}, {pipeline_mode = #tpu.pipeline_mode<synchronous>, transform_indices = @transform_2, window_bounds = array<i64: 4096, 512>}, {pipeline_mode = #tpu.pipeline_mode<synchronous>, transform_indices = @transform_3, window_bounds = array<i64: 1024, 512>}, {pipeline_mode = #tpu.pipeline_mode<synchronous>, transform_indices = @transform_4, window_bounds = array<i64: 512, 1024>}, {transform_indices = @transform_5, window_bounds = array<i64: 512, 1024>}, {transform_indices = @transform_6, window_bounds = array<i64: 512, 1024>}, {transform_indices = @transform_7, window_bounds = array<i64: 512, 1>}, {transform_indices = @transform_8, window_bounds = array<i64: 512, 1>}, {transform_indices = @transform_9, window_bounds = array<i64: 512, 1024>}]} {
    %get3A = arith.constant 0 : index
    %get3A_0 = arith.constant 0 : index
    %get3A_1 = vector.load %arg1[%get3A, %get3A_0] : memref<512x4096xbf16, #tpu.memory_space<vmem>>, vector<512x4096xbf16>
    %get3A_2 = arith.constant 0 : index
    %get3A_3 = arith.constant 0 : index
    %get3A_4 = vector.load %arg3[%get3A_2, %get3A_3] : memref<4096x512xbf16, #tpu.memory_space<vmem>>, vector<4096x512xbf16>
    %dot_general3A = arith.constant dense<0.000000e+00> : vector<512x512xf32>
    %dot_general3A_5 = tpu.matmul %get3A_1, %get3A_4, %dot_general3A {dimension_numbers = #tpu.dot_dimension_numbers<[1], [0], [0], [1], [0, 0, 1, 1], [], []>, transpose_lhs_hint = false} : vector<512x4096xbf16>, vector<4096x512xbf16>, vector<512x512xf32> -> vector<512x512xf32>
    %get3A_6 = arith.constant 0 : index
    %get3A_7 = arith.constant 0 : index
    %get3A_8 = vector.load %arg2[%get3A_6, %get3A_7] : memref<512x1024xbf16, #tpu.memory_space<vmem>>, vector<512x1024xbf16>
    %get3A_9 = arith.constant 0 : index
    %get3A_10 = arith.constant 0 : index
    %get3A_11 = vector.load %arg4[%get3A_9, %get3A_10] : memref<1024x512xbf16, #tpu.memory_space<vmem>>, vector<1024x512xbf16>
    %dot_general3A_12 = arith.constant dense<0.000000e+00> : vector<512x512xf32>
    %dot_general3A_13 = tpu.matmul %get3A_8, %get3A_11, %dot_general3A_12 {dimension_numbers = #tpu.dot_dimension_numbers<[1], [0], [0], [1], [0, 0, 1, 1], [], []>, transpose_lhs_hint = false} : vector<512x1024xbf16>, vector<1024x512xbf16>, vector<512x512xf32> -> vector<512x512xf32>
    %neg3A = arith.constant 0.000000e+00 : f32
    %neg3A_14 = vector.broadcast %neg3A : f32 to vector<512x512xf32>
    %neg3A_15 = arith.subf %neg3A_14, %dot_general3A_5 : vector<512x512xf32>
    %exp3A = math.exp %neg3A_15 : vector<512x512xf32>
    %add3A = arith.constant 1.000000e+00 : f32
    %add3A_16 = vector.broadcast %add3A : f32 to vector<512x512xf32>
    %add3A_17 = arith.addf %add3A_16, %exp3A : vector<512x512xf32>
    %div3A = arith.divf %dot_general3A_5, %add3A_17 : vector<512x512xf32>
    %mul3A = arith.mulf %div3A, %dot_general3A_13 : vector<512x512xf32>
    %convert_element_type3A = arith.truncf %mul3A : vector<512x512xf32> to vector<512x512xbf16>
    %get3A_18 = arith.constant 0 : index
    %get3A_19 = arith.constant 0 : index
    %get3A_20 = vector.load %arg5[%get3A_18, %get3A_19] : memref<512x1024xbf16, #tpu.memory_space<vmem>>, vector<512x1024xbf16>
    %dot_general3A_21 = arith.constant dense<0.000000e+00> : vector<512x1024xf32>
    %dot_general3A_22 = tpu.matmul %convert_element_type3A, %get3A_20, %dot_general3A_21 {dimension_numbers = #tpu.dot_dimension_numbers<[1], [0], [0], [1], [0, 0, 1, 1], [], []>, transpose_lhs_hint = false} : vector<512x512xbf16>, vector<512x1024xbf16>, vector<512x1024xf32> -> vector<512x1024xf32>
    %get3A_23 = arith.constant 0 : index
    %get3A_24 = arith.constant 0 : index
    %get3A_25 = vector.load %arg8[%get3A_23, %get3A_24] : memref<512x1xf32, #tpu.memory_space<vmem>>, vector<512x1xf32>
    %get3A_26 = arith.constant 0 : index
    %get3A_27 = arith.constant 0 : index
    %get3A_28 = vector.load %arg6[%get3A_26, %get3A_27] : memref<512x1024xf32, #tpu.memory_space<vmem>>, vector<512x1024xf32>
    %mul3A_29 = vector.broadcast %get3A_25 : vector<512x1xf32> to vector<512x1024xf32>
    %mul3A_30 = arith.mulf %mul3A_29, %get3A_28 : vector<512x1024xf32>
    %add3A_31 = arith.addf %dot_general3A_22, %mul3A_30 : vector<512x1024xf32>
    %get3A_32 = arith.constant 0 : index
    %get3A_33 = arith.constant 0 : index
    %get3A_34 = vector.load %arg9[%get3A_32, %get3A_33] : memref<512x1xf32, #tpu.memory_space<vmem>>, vector<512x1xf32>
    %get3A_35 = arith.constant 0 : index
    %get3A_36 = arith.constant 0 : index
    %get3A_37 = vector.load %arg7[%get3A_35, %get3A_36] : memref<512x1024xf32, #tpu.memory_space<vmem>>, vector<512x1024xf32>
    %mul3A_38 = vector.broadcast %get3A_34 : vector<512x1xf32> to vector<512x1024xf32>
    %mul3A_39 = arith.mulf %mul3A_38, %get3A_37 : vector<512x1024xf32>
    %add3A_40 = arith.addf %add3A_31, %mul3A_39 : vector<512x1024xf32>
    %swap3A = arith.constant 0 : index
    %swap3A_41 = arith.constant 0 : index
    %swap3A_42 = vector.load %arg10[%swap3A, %swap3A_41] : memref<512x1024xf32, #tpu.memory_space<vmem>>, vector<512x1024xf32>
    tpu.vector_store %arg10[%swap3A, %swap3A_41], %add3A_40 {strides = array<i32>} : memref<512x1024xf32, #tpu.memory_space<vmem>>, vector<512x1024xf32>,
    return
  }
  func.func @transform_0(%arg0: i32) -> (i32, i32) {
    %c0_i32 = arith.constant 0 : i32
    %c0_i32_0 = arith.constant 0 : i32
    return %arg0, %c0_i32 : i32, i32
  }
  func.func @transform_1(%arg0: i32) -> (i32, i32) {
    %c0_i32 = arith.constant 0 : i32
    %c0_i32_0 = arith.constant 0 : i32
    return %arg0, %c0_i32 : i32, i32
  }
  func.func @transform_2(%arg0: i32) -> (i32, i32) {
    %c0_i32 = arith.constant 0 : i32
    %c0_i32_0 = arith.constant 0 : i32
    %c0_i32_1 = arith.constant 0 : i32
    return %c0_i32, %c0_i32_0 : i32, i32
  }
  func.func @transform_3(%arg0: i32) -> (i32, i32) {
    %c0_i32 = arith.constant 0 : i32
    %c0_i32_0 = arith.constant 0 : i32
    %c0_i32_1 = arith.constant 0 : i32
    return %c0_i32, %c0_i32_0 : i32, i32
  }
  func.func @transform_4(%arg0: i32) -> (i32, i32) {
    %c0_i32 = arith.constant 0 : i32
    %c0_i32_0 = arith.constant 0 : i32
    %c0_i32_1 = arith.constant 0 : i32
    return %c0_i32, %c0_i32_0 : i32, i32
  }
  func.func @transform_5(%arg0: i32) -> (i32, i32) {
    %c0_i32 = arith.constant 0 : i32
    %c0_i32_0 = arith.constant 0 : i32
    return %arg0, %c0_i32 : i32, i32
  }
  func.func @transform_6(%arg0: i32) -> (i32, i32) {
    %c0_i32 = arith.constant 0 : i32
    %c0_i32_0 = arith.constant 0 : i32
    return %arg0, %c0_i32 : i32, i32
  }
  func.func @transform_7(%arg0: i32) -> (i32, i32) {
    %c0_i32 = arith.constant 0 : i32
    %c0_i32_0 = arith.constant 0 : i32
    return %arg0, %c0_i32 : i32, i32
  }
  func.func @transform_8(%arg0: i32) -> (i32, i32) {
    %c0_i32 = arith.constant 0 : i32
    %c0_i32_0 = arith.constant 0 : i32
    return %arg0, %c0_i32 : i32, i32
  }
  func.func @transform_9(%arg0: i32) -> (i32, i32) {
    %c0_i32 = arith.constant 0 : i32
    %c0_i32_0 = arith.constant 0 : i32
    return %arg0, %c0_i32 : i32, i32
  }
}

</mosaic_0001>

<sc_bundles>
// kernel: kernel.10.cloned.1.call-start
scs
__scs_entry_jumppad:
0x0: {  	(pc) =	sbr.rel $0x88, $3  }
0x1: {  	(tag) =	ssettag $0x0;
	lr =	simm.s32 $0x1  }
0x2: {  	[smem:$0x3F98] =	sst lr;
	_ =	strace $0xD0000000  }
0x3: {  	_ = 	snop  }
0x4: {  	_ = 	snop  }
0x5: {  	_ = 	snop  }
0x6: {  	_ = 	snop  }
0x7: {  	_ = 	snop  }
__scs_overlays_trampoline_lowered:
0x8: {  	[smem:$0x3FA7] =	sst s0  }
0x9: {  	[smem:$0x3FA8] =	sst s1  }
0xa: {  	[smem:$0x3FA9] =	sst s2  }
0xb: {  	[smem:$0x3FAA] =	sst s3  }
0xc: {  	[smem:$0x3FAB] =	sst s4  }
0xd: {  	[smem:$0x3FAC] =	sst s5  }
0xe: {  	[smem:$0x3FAD] =	sst s6  }
0xf: {  	[smem:$0x3FAE] =	sst s7  }
0x10: {  	[smem:$0x3FAF] =	sst s8  }
0x11: {  	[smem:$0x3FB0] =	sst s9;
	s0 =	simm.s32 @!p0 $0x0  }
0x12: {  	s1 =	sld [smem:$0x3F96];
	s0 =	simm.s32 @p0 $0x1  }
0x13: {  	[smem:$0x3FB1] =	sst s0;
	s0 =	simm.s32 @!p1 $0x0  }
0x14: {  	s2 =	sld [smem:$0x3F95];
	s0 =	simm.s32 @p1 $0x1  }
0x15: {  	[smem:$0x3FB2] =	sst s0;
	s0 =	simm.s32 @!p2 $0x0  }
0x16: {  	s3 =	sld [smem:$0x3FDB];
	s0 =	simm.s32 @p2 $0x1  }
0x17: {  	s4 =	simm.s32 $0x1BF5;
	[smem:$0x3FB4] =	sst s0  }
0x18: {  	s0 =	sld [smem:$0x3F97];
	_ =	swait.ge [sflag:s4], $0x0  }
0x19: {  	s7 =	sld [smem:$0x3F98]  }
0x1a: {  	s8 =	sadd.s32 $0xFFFFE003, lr  }
0x1b: {  	s9 =	sadd.s32 $0xFFFFFEF7, lr;
	s5 =	simm.s32 $0xFFFFFFFF;
	p2 =	slt.u32 s8, $0xFFFFF086  }
0x1c: {  	p1 =	slt.u32 s9, $0xF7A;
	s5 =	simm.s32 @!p2 $0x0  }
0x1d: {  	s5 =	simm.s32 @p1 $0x1;
	p0 =	seq.s32 s7, s2  }
0x1e: {  	s7 =	smul.u32 @!p0 $0xF7A, s2;
	p2 =	seq.s32 @!p0 s5, $0x0  }
0x1f: {  	s9 =	smul.u32 $0xF7A, s1;
	s8 =	simm.s32 @!p0 $0x1BF5;
	p2 =	por !p2, p0  }
0x20: {  	[sflag:s8] =	ssyncset.s32 @!p0 $0xFFFFF086;
	s6 =	sadd.s32 @!p0 s3, s7;
	s7 =	simm.s32 @!p0 $0x108  }
0x21: {  	s3 =	sadd.s32 s3, s9;
	s6 =	sadd.s32 @!p0 $0x88, s6;
	s7 =	simm.s32 @p2 $0x1082  }
0x22: {  	[simem:s7], [sflag:s8] =	dma.local @!p0 [hbm:s6], $0xF7A  }
0x23: {  	s9 =	sor.u32 $0xD0000000, s2;
	s6 =	simm.s32 $0x108;
	_ =	swait.ge @!p0 [sflag:s8], $0x0  }
0x24: {  	s3 =	sadd.s32 $0x88, s3;
	s6 =	simm.s32 @!p1 $0x1082;
	[sflag:s4] =	ssyncset.s32 $0xFFFFF086  }
0x25: {  	[simem:s6], [sflag:s4] =	dma.local [hbm:s3], $0xF7A  }
0x26: {  	[smem:$0x3F98] =	sst s1;
	(tag) =	ssettag s2;
	_ =	strace s9  }
0x27: {  	s1 =	sld [smem:$0x3FA8]  }
0x28: {  	s2 =	sld [smem:$0x3FA9]  }
0x29: {  	s4 =	sld [smem:$0x3FAB]  }
0x2a: {  	p0 =	seq.s32 s5, $0x0;
	s5 =	sld [smem:$0x3FAC]  }
0x2b: {  	s6 =	sld [smem:$0x3FAD]  }
0x2c: {  	s7 =	sld [smem:$0x3FAE]  }
0x2d: {  	s3 =	simm.s32 $0x108;
	s8 =	sld [smem:$0x3FAF]  }
0x2e: {  	s3 =	simm.s32 @!p0 $0x1082;
	s9 =	sld [smem:$0x3FB0]  }
0x2f: {  	lr =	sadd.s32 s0, s3;
	s0 =	sld [smem:$0x3FA7]  }
0x30: {  	s3 =	sld [smem:$0x3FAA]  }
0x31: {  	[smem:$0x3FB3] =	sst s10  }
0x32: {  	s10 =	sld [smem:$0x3FB1];
	_ =	sdelay $0x3  }
0x33: {  	p0 =	seq.s32 s10, $0x1;
	s10 =	sld [smem:$0x3FB3];
	_ =	sdelay $0x3  }
0x34: {  	[smem:$0x3FB3] =	sst s10  }
0x35: {  	s10 =	sld [smem:$0x3FB2];
	_ =	sdelay $0x3  }
0x36: {  	p1 =	seq.s32 s10, $0x1;
	s10 =	sld [smem:$0x3FB3];
	_ =	sdelay $0x3  }
0x37: {  	[smem:$0x3FB3] =	sst s10  }
0x38: {  	s10 =	sld [smem:$0x3FB4]  }
0x39: {  	_ = 	snop;
	(pc) =	sbr.ind lr, $3  }
0x3a: {  	_ = 	snop  }
0x3b: {  	_ = 	snop  }
0x3c: {  	p2 =	seq.s32 s10, $0x1;
	s10 =	sld [smem:$0x3FB3]  }
0x3d: {  	_ =	shalt  }
0x3e: {  	_ =	shalt  }
0x3f: {  	_ =	shalt  }
0x40: {  	_ =	shalt  }
0x41: {  	_ =	shalt  }
0x42: {  	_ =	shalt  }
0x43: {  	_ =	shalt  }
0x44: {  	_ =	shalt  }
0x45: {  	_ =	shalt  }
0x46: {  	_ =	shalt  }
0x47: {  	_ =	shalt  }
0x48: {  	_ =	shalt  }
0x49: {  	_ =	shalt  }
0x4a: {  	_ =	shalt  }
0x4b: {  	_ =	shalt  }
0x4c: {  	_ =	shalt  }
0x4d: {  	_ =	shalt  }
0x4e: {  	_ =	shalt  }
0x4f: {  	_ =	shalt  }
0x50: {  	_ =	shalt  }
0x51: {  	_ =	shalt  }
0x52: {  	_ =	shalt  }
0x53: {  	_ =	shalt  }
0x54: {  	_ =	shalt  }
0x55: {  	_ =	shalt  }
0x56: {  	_ =	shalt  }
0x57: {  	_ =	shalt  }
0x58: {  	_ =	shalt  }
0x59: {  	_ =	shalt  }
0x5a: {  	_ =	shalt  }
0x5b: {  	_ =	shalt  }
0x5c: {  	_ =	shalt  }
0x5d: {  	_ =	shalt  }
0x5e: {  	_ =	shalt  }
0x5f: {  	_ =	shalt  }
0x60: {  	_ =	shalt  }
0x61: {  	_ =	shalt  }
0x62: {  	_ =	shalt  }
0x63: {  	_ =	shalt  }
0x64: {  	_ =	shalt  }
0x65: {  	_ =	shalt  }
0x66: {  	_ =	shalt  }
0x67: {  	_ =	shalt  }
0x68: {  	_ =	shalt  }
0x69: {  	_ =	shalt  }
0x6a: {  	_ =	shalt  }
0x6b: {  	_ =	shalt  }
0x6c: {  	_ =	shalt  }
0x6d: {  	_ =	shalt  }
0x6e: {  	_ =	shalt  }
0x6f: {  	_ =	shalt  }
0x70: {  	_ =	shalt  }
0x71: {  	_ =	shalt  }
0x72: {  	_ =	shalt  }
0x73: {  	_ =	shalt  }
0x74: {  	_ =	shalt  }
0x75: {  	_ =	shalt  }
0x76: {  	_ =	shalt  }
0x77: {  	_ =	shalt  }
0x78: {  	_ =	shalt  }
0x79: {  	_ =	shalt  }
0x7a: {  	_ =	shalt  }
0x7b: {  	_ =	shalt  }
0x7c: {  	_ =	shalt  }
0x7d: {  	_ =	shalt  }
0x7e: {  	_ =	shalt  }
0x7f: {  	_ =	shalt  }
0x80: {  	_ =	shalt  }
0x81: {  	_ =	shalt  }
0x82: {  	_ =	shalt  }
0x83: {  	_ =	shalt  }
0x84: {  	_ =	shalt  }
0x85: {  	_ =	shalt  }
0x86: {  	_ =	shalt  }
0x87: {  	_ =	shalt  }
.Lfunc_end0:
.L_simem_size_0:
called_computation.1_lowered:
.L_overlay_start_0:
0x88: {  	s2 =	sld [smem:$0x3FD9]  }
0x89: {  	s3 =	sld [smem:$0x3FFE];
	_ =	sdelay $0x1  }
0x8a: {  	s1 =	srdreg.scid  }
0x8b: {  	s0 =	sand.u32 $0x1, s1  }
0x8c: {  	s17 =	sshll.u32 s0, $0xA;
	s2 =	sadd.s32 s3, s2  }
0x8d: {  	s2 =	sadd.s32 s2, s17  }
0x8e: {  	[smem:$0x3FBF] =	sst s2  }
0x8f: {  	_ = 	snop  }
0x90: {  	s2 =	sld [smem:$0x3FD0];
	(tm) =	ssettm $0x1  }
0x91: {  	s18 =	sld [smem:$0x3FFB];
	_ =	sdelay $0x3  }
0x92: {  	_ =	strace s18  }
0x93: {  	s3 =	sld [smem:$0x3FFC];
	_ =	sdelay $0x3  }
0x94: {  	_ =	strace s3  }
0x95: {  	s3 =	sld [smem:$0x3FFD];
	_ =	sdelay $0x3  }
0x96: {  	_ =	strace s3  }
0x97: {  	_ =	strace $0x8FFFFFFF  }
0x98: {  	s19 =	sld [smem:$0x3FDB];
	_ =	sdelay $0x1  }
0x99: {  	s4 =	simm.s32 $_scs_section_size  }
0x9a: {  	s5 =	simm.s32 $_size__tile_overlayer_lowered;
	s6 =	simm.s32 $_tile_overlayer_lowered  }
0x9b: {  	s22 =	simm.s32 $0x1BFF;
	s21 =	sshll.u32 s6, $0x1;
	s3 =	sadd.s32 s4, s19  }
0x9c: {  	s7 =	simm.s32 $0x0;
	s20 =	sshll.u32 s5, $0x1;
	s5 =	sadd.s32 s21, s3  }
0x9d: {  	[timem:s7], [sflag:s22] =	dma.local [hbm:s5], s20  }
0x9e: {  	_ =	swait.ge [sflag:s22], s20  }
0x9f: {  	s4 =	ssub.s32 $0x0, s20;
	[sflag:s22] =	ssyncset.done $0x0  }
0xa0: {  	[sflag:s22] =	ssyncadd.s32 s4;
	_ =	sdelay $0x1  }
0xa1: {  	s23 =	simm.s32 $0x1B8B  }
0xa2: {  	_ =	swait.ge [sflag:s23], $0x1  }
0xa3: {  	[sflag:s23] =	ssyncset.done $0x0  }
0xa4: {  	s25 =	simm.s32 $0x1B8E;
	s24 =	sld [smem:$0x3FFE];
	[sflag:s23] =	ssyncadd.s32 $0xFFFFFFFF  }
0xa5: {  	s26 =	simm.s32 $execute0_lowered;
	[smem:$0x3FD2] =	sst s25  }
0xa6: {  	s5 =	sshll.u32 s26, $0x1;
	_ =	strace $0x80000049;
	[dreg:$0x1] =	wrdreg $0xFFFFFFFF  }
0xa7: {  	s28 =	simm.s32 $_size_execute0_lowered;
	s3 =	sadd.s32 s3, s5;
	[dreg:$0x0] =	wrdreg $0x0  }
0xa8: {  	s5 =	sshll.u32 s28, $0x1;
	[dreg:$0x2] =	wrdreg s3  }
0xa9: {  	[dreg:$0x3] =	wrdreg s5  }
0xaa: {  	[dreg:$0x4] =	wrdreg $0xC0  }
0xab: {  	_ =	task [dreg:s7], $0x5FFFF  }
0xac: {  	[dreg:$0x1] =	wrdreg $0xFFFFFFFF  }
0xad: {  	[dreg:$0x0] =	wrdreg $0x60  }
0xae: {  	[dreg:$0x2] =	wrdreg s24  }
0xaf: {  	[dreg:$0x3] =	wrdreg s2  }
0xb0: {  	[dreg:$0x4] =	wrdreg $0x9  }
0xb1: {  	_ =	task.clear_ibuf [dreg:s7], $0x5FFFF;
	_ =	strace $0x90000049  }
0xb2: {  	s29 =	simm.s32 $0x9;
	_ =	strace $0x8000004B  }
0xb3: {  	_ =	swait.ge [sflag:s29], $0x1  }
0xb4: {  	[sflag:s29] =	ssyncadd.s32 $0xFFFFFFFF  }
0xb5: {  	_ =	strace $0x9000004B  }
0xb6: {  	_ =	sfence  }
0xb7: {  	s30 =	sld [smem:$0x0];
	_ =	sdelay $0x2  }
0xb8: {  	s31 =	sshll.u32 s1, $0xD;
	s1 =	sshrl.u32 s1, $0x2  }
0xb9: {  	s3 =	sand.u32 $0x4000, s31;
	s1 =	sadd.s32 s1, s30  }
0xba: {  	s0 =	sor.u32 s3, s0;
	s1 =	sshll.u32 s1, $0x11  }
0xbb: {  	s0 =	sor.u32 s1, s0  }
0xbc: {  	s0 =	sadd.s32 $0x8F2B, s0  }
0xbd: {  	[sflag:s0] =	ssyncadd.remote.s32 $0x1  }
0xbe: {  	_ =	sfence.sel $0xFFFF  }
0xbf: {  	[dreg:$0x0] =	wrdreg $0xFFFFFFFF;
	(pc) =	sbr.abs _section_cstart, $3  }
0xc0: {  	[dreg:$0x1] =	wrdreg $0xFFFFFFFF  }
0xc1: {  	_ =	task.clear_ibuf [dreg:s7], $0x2FFFF;
	_ =	strace $0x9FFFFFFF  }
0xc2: {  	(tm) =	ssettm $0x7FFFFFFF  }
0xc3: {  	_ =	shalt  }
tec
execute0_lowered:
.L_overlay_start_1:
0x0: {  	(tag) =	ssettag $0x1  }
0x1: {  	s0 =	rddreg [dreg:$0x0]  }
0x2: {  	s1 =	rddreg [dreg:$0x1];
	s3 =	srdreg.scid;
	s2 =	simm.s32 $0x0  }
0x3: {  	s6 =	stileid.u32;
	s28 =	simm.s32 $0x100;
	s29 =	simm.s32 $0x2100  }
0x4: {  	s30 =	simm.s32 $0x2900;
	s31 =	simm.s32 $0x3100;
	s12 =	simm.s32 $0x5100  }
0x5: {  	s13 =	simm.s32 $0x5900;
	s14 =	simm.s32 $0x6100;
	s15 =	simm.s32 $0x6900  }
0x6: {  	s16 =	simm.s32 $0x7100;
	s17 =	simm.s32 $0x7900;
	s18 =	simm.s32 $0x8900  }
0x7: {  	s4 =	sand.u32 $0x1, s3;
	[smem:$0x7FF] =	sst s2;
	s6 =	sshll.u32 s6, $0x6  }
0x8: {  	s3 =	sadd.s32 $0x102A00, s0;
	s19 =	sadd.s32 $0x2600, s0;
	s7 =	sadd.s32 $0x2800, s0  }
0x9: {  	s9 =	sadd.s32 $0x2A00, s0;
	s5 =	sshll.u32 s4, $0xA;
	s4 =	ssub.s32 $0x2, s4  }
0xa: {  	_ =	strace $0x8000004A;
	s5 =	sor.u32 s6, s5;
	s11 =	sshrl.u32 s4, $0x1  }
0xb: {  	s8 =	sshrl.u32 s5, $0x3;
	s20 =	sshll.u32 s5, $0x7;
	s5 =	sor.u32 $0x20, s5  }
0xc: {  	s25 =	ssub.s32 s4, s11;
	s4 =	sadd.s32 $0x102B00, s0;
	s10 =	sadd.s32 s19, s8  }
0xd: {  	s11 =	simm.s32 $0xA100;
	s8 =	sadd.s32 s7, s8;
	[dreg:$0x3] =	wrdreg s10  }
0xe: {  	s21 =	sadd.s32 s1, s20;
	s22 =	sadd.s32 s9, s20;
	[dreg:$0x4] =	wrdreg s8  }
0xf: {  	s23 =	sshrl.u32 s5, $0x3;
	s5 =	sshll.u32 s5, $0x7;
	[dreg:$0x5] =	wrdreg s21  }
0x10: {  	s20 =	simm.s32 $0x9900;
	[dreg:$0x6] =	wrdreg s22;
	s6 =	sadd.s32 s19, s23  }
0x11: {  	s24 =	sadd.s32 s7, s23;
	s1 =	sadd.s32 s1, s5;
	s26 =	sadd.s32 s9, s5  }
0x12: {  	s5 =	sadd.s32 $0x102C00, s0;
	s7 =	smax.u32 s25, $0x1;
	s9 =	simm.s32 $0x1  }
0x13: {  	s10 =	simm.s32 $0x2;
	s23 =	simm.s32 $0x80;
	[dreg:$0x7] =	wrdreg s6  }
0x14: {  	v2 =	vlaneseq.u32;
	s25 =	simm.s32 $0x1100;
	s8 =	simm.s32 $0x4900;
	[dreg:$0x8] =	wrdreg s24  }
0x15: {  	vm0 =	vmmov $0xffff;
	v1 =	vshrl.u32 v2, $0x3;
	s19 =	simm.s32 $0x9100;
	[dreg:$0x9] =	wrdreg s1;
	s6 =	sadd.s32 $0x102D00, s0  }
0x16: {  	v0 =	vand.u32 $0x7, v2;
	v2 =	vor.u32 $0x8, v2;
	v1 =	vmul.u32 $0x8, v1;
	[dreg:$0xa] =	wrdreg s26;
	s24 =	simm.s32 $0x900;
	s26 =	simm.s32 $0x1900  }
.LBB2_1:
0x17: {  	s21 =	rddreg [dreg:$0x3]  }
0x18: {  	[tilespmem:s2], [sflag:$0x1] =	stream.linear.gather [hbm4b:s21+s2], $0x20, $0x38;
	[tilespmem:$0x10100] =	vst v63  }
0x19: {  	s22 =	rddreg [dreg:$0x4]  }
0x1a: {  	[tilespmem:s23], [sflag:$0x2] =	stream.linear.gather [hbm4b:s22+s2], $0x20, $0x38;
	[tilespmem:$0x10100] =	vst v63  }
0x1b: {  	_ =	swait.ge [sflag:s9], $0x20  }
0x1c: {  	[sflag:s9] =	ssyncset.done $0x0  }
0x1d: {  	[sflag:s9] =	ssyncadd.s32 $0xFFFFFFE0  }
0x1e: {  	_ =	swait.ge [sflag:s10], $0x20  }
0x1f: {  	[sflag:s10] =	ssyncset.done $0x0  }
0x20: {  	[sflag:s10] =	ssyncadd.s32 $0xFFFFFFE0  }
0x21: {  	v3 =	vld [tilespmem:$0x0];
	_ =	sdelay $0x4  }
0x22: {  	v4 =	vshll.u32 v3, $0x3  }
0x23: {  	v3 =	vand.u32 $0x7, v3;
	v4 =	vand.u32 $0xFFFFFFC0, v4  }
0x24: {  	v3 =	vor.u32 v3, v4  }
0x25: {  	v4 =	vperm.xlane v3, v0;
	_ =	sdelay $0x1  }
0x26: {  	v4 =	vadd.s32 v1, v4;
	_ =	sdelay $0x4  }
0x27: {  	[tilespmem:s28], [sflag:$0x1] =	stream.indirect_vreg.gather [hbm4b:s3+s2], $0x80, v4, vm0, $0xb8;
	[tilespmem:$0x10100] =	vst v63  }
0x28: {  	v3 =	vperm.xlane v3, v2  }
0x29: {  	[tilespmem:s24], [sflag:$0x1] =	stream.indirect_vreg.gather [hbm4b:s4+s2], $0x80, v4, vm0, $0xb8;
	[tilespmem:$0x10100] =	vst v63  }
0x2a: {  	v3 =	vadd.s32 v1, v3  }
0x2b: {  	[tilespmem:s25], [sflag:$0x1] =	stream.indirect_vreg.gather [hbm4b:s5+s2], $0x80, v4, vm0, $0xb8;
	[tilespmem:$0x10100] =	vst v63  }
0x2c: {  	_ = 	snop  }
0x2d: {  	[tilespmem:s26], [sflag:$0x1] =	stream.indirect_vreg.gather [hbm4b:s6+s2], $0x80, v4, vm0, $0xb8;
	[tilespmem:$0x10100] =	vst v63  }
0x2e: {  	_ = 	snop  }
0x2f: {  	[tilespmem:s29], [sflag:$0x1] =	stream.indirect_vreg.gather [hbm4b:s3+s2], $0x80, v3, vm0, $0xb8;
	[tilespmem:$0x10100] =	vst v63  }
0x30: {  	_ = 	snop  }
0x31: {  	[tilespmem:s30], [sflag:$0x1] =	stream.indirect_vreg.gather [hbm4b:s4+s2], $0x80, v3, vm0, $0xb8;
	[tilespmem:$0x10100] =	vst v63  }
0x32: {  	_ = 	snop  }
0x33: {  	[tilespmem:s31], [sflag:$0x1] =	stream.indirect_vreg.gather [hbm4b:s5+s2], $0x80, v3, vm0, $0xb8;
	[tilespmem:$0x10100] =	vst v63  }
0x34: {  	s0 =	simm.s32 $0x3900  }
0x35: {  	[tilespmem:s0], [sflag:$0x1] =	stream.indirect_vreg.gather [hbm4b:s6+s2], $0x80, v3, vm0, $0xb8;
	[tilespmem:$0x10100] =	vst v63  }
0x36: {  	v3 =	vld [tilespmem:$0x10];
	_ =	sdelay $0x4  }
0x37: {  	v57 =	vshll.u32 v3, $0x3  }
0x38: {  	v3 =	vand.u32 $0x7, v3;
	v4 =	vand.u32 $0xFFFFFFC0, v57  }
0x39: {  	v3 =	vor.u32 v3, v4  }
0x3a: {  	v4 =	vperm.xlane v3, v0;
	_ =	sdelay $0x1  }
0x3b: {  	v4 =	vadd.s32 v1, v4;
	_ =	sdelay $0x3  }
0x3c: {  	s1 =	simm.s32 $0x4100  }
0x3d: {  	[tilespmem:s1], [sflag:$0x1] =	stream.indirect_vreg.gather [hbm4b:s3+s2], $0x80, v4, vm0, $0xb8;
	[tilespmem:$0x10100] =	vst v63  }
0x3e: {  	v3 =	vperm.xlane v3, v2  }
0x3f: {  	[tilespmem:s8], [sflag:$0x1] =	stream.indirect_vreg.gather [hbm4b:s4+s2], $0x80, v4, vm0, $0xb8;
	[tilespmem:$0x10100] =	vst v63  }
0x40: {  	v3 =	vadd.s32 v1, v3  }
0x41: {  	[tilespmem:s12], [sflag:$0x1] =	stream.indirect_vreg.gather [hbm4b:s5+s2], $0x80, v4, vm0, $0xb8;
	[tilespmem:$0x10100] =	vst v63  }
0x42: {  	_ = 	snop  }
0x43: {  	[tilespmem:s13], [sflag:$0x1] =	stream.indirect_vreg.gather [hbm4b:s6+s2], $0x80, v4, vm0, $0xb8;
	[tilespmem:$0x10100] =	vst v63  }
0x44: {  	_ = 	snop  }
0x45: {  	[tilespmem:s14], [sflag:$0x1] =	stream.indirect_vreg.gather [hbm4b:s3+s2], $0x80, v3, vm0, $0xb8;
	[tilespmem:$0x10100] =	vst v63  }
0x46: {  	_ = 	snop  }
0x47: {  	[tilespmem:s15], [sflag:$0x1] =	stream.indirect_vreg.gather [hbm4b:s4+s2], $0x80, v3, vm0, $0xb8;
	[tilespmem:$0x10100] =	vst v63  }
0x48: {  	_ = 	snop  }
0x49: {  	[tilespmem:s16], [sflag:$0x1] =	stream.indirect_vreg.gather [hbm4b:s5+s2], $0x80, v3, vm0, $0xb8;
	[tilespmem:$0x10100] =	vst v63  }
0x4a: {  	_ = 	snop  }
0x4b: {  	[tilespmem:s17], [sflag:$0x1] =	stream.indirect_vreg.gather [hbm4b:s6+s2], $0x80, v3, vm0, $0xb8;
	[tilespmem:$0x10100] =	vst v63  }
0x4c: {  	v3 =	vld [tilespmem:$0x80];
	_ =	sdelay $0x4  }
0x4d: {  	v58 =	vshll.u32 v3, $0x3  }
0x4e: {  	v3 =	vand.u32 $0x7, v3;
	v4 =	vand.u32 $0xFFFFFFC0, v58  }
0x4f: {  	v3 =	vor.u32 v3, v4  }
0x50: {  	v4 =	vperm.xlane v3, v0;
	_ =	sdelay $0x1  }
0x51: {  	v4 =	vadd.s32 v1, v4;
	_ =	sdelay $0x3  }
0x52: {  	s0 =	simm.s32 $0x8100  }
0x53: {  	[tilespmem:s0], [sflag:$0x2] =	stream.indirect_vreg.gather [hbm4b:s3+s2], $0x80, v4, vm0, $0xb8;
	[tilespmem:$0x10100] =	vst v63  }
0x54: {  	v3 =	vperm.xlane v3, v2  }
0x55: {  	[tilespmem:s18], [sflag:$0x2] =	stream.indirect_vreg.gather [hbm4b:s4+s2], $0x80, v4, vm0, $0xb8;
	[tilespmem:$0x10100] =	vst v63  }
0x56: {  	v3 =	vadd.s32 v1, v3  }
0x57: {  	[tilespmem:s19], [sflag:$0x2] =	stream.indirect_vreg.gather [hbm4b:s5+s2], $0x80, v4, vm0, $0xb8;
	[tilespmem:$0x10100] =	vst v63  }
0x58: {  	_ = 	snop  }
0x59: {  	[tilespmem:s20], [sflag:$0x2] =	stream.indirect_vreg.gather [hbm4b:s6+s2], $0x80, v4, vm0, $0xb8;
	[tilespmem:$0x10100] =	vst v63  }
0x5a: {  	_ = 	snop  }
0x5b: {  	[tilespmem:s11], [sflag:$0x2] =	stream.indirect_vreg.gather [hbm4b:s3+s2], $0x80, v3, vm0, $0xb8;
	[tilespmem:$0x10100] =	vst v63  }
0x5c: {  	s22 =	simm.s32 $0xA900  }
0x5d: {  	[tilespmem:s22], [sflag:$0x2] =	stream.indirect_vreg.gather [hbm4b:s4+s2], $0x80, v3, vm0, $0xb8;
	[tilespmem:$0x10100] =	vst v63  }
0x5e: {  	s22 =	simm.s32 $0xB100  }
0x5f: {  	[tilespmem:s22], [sflag:$0x2] =	stream.indirect_vreg.gather [hbm4b:s5+s2], $0x80, v3, vm0, $0xb8;
	[tilespmem:$0x10100] =	vst v63  }
0x60: {  	s22 =	simm.s32 $0xB900  }
0x61: {  	[tilespmem:s22], [sflag:$0x2] =	stream.indirect_vreg.gather [hbm4b:s6+s2], $0x80, v3, vm0, $0xb8;
	[tilespmem:$0x10100] =	vst v63  }
0x62: {  	v3 =	vld [tilespmem:$0x90];
	_ =	sdelay $0x4  }
0x63: {  	v59 =	vshll.u32 v3, $0x3  }
0x64: {  	v3 =	vand.u32 $0x7, v3;
	v4 =	vand.u32 $0xFFFFFFC0, v59  }
0x65: {  	v3 =	vor.u32 v3, v4  }
0x66: {  	v4 =	vperm.xlane v3, v0;
	_ =	sdelay $0x1  }
0x67: {  	v4 =	vadd.s32 v1, v4;
	_ =	sdelay $0x3  }
0x68: {  	s22 =	simm.s32 $0xC100  }
0x69: {  	[tilespmem:s22], [sflag:$0x2] =	stream.indirect_vreg.gather [hbm4b:s3+s2], $0x80, v4, vm0, $0xb8;
	[tilespmem:$0x10100] =	vst v63  }
0x6a: {  	v3 =	vperm.xlane v3, v2;
	s22 =	simm.s32 $0xC900  }
0x6b: {  	[tilespmem:s22], [sflag:$0x2] =	stream.indirect_vreg.gather [hbm4b:s4+s2], $0x80, v4, vm0, $0xb8;
	[tilespmem:$0x10100] =	vst v63  }
0x6c: {  	v3 =	vadd.s32 v1, v3;
	s22 =	simm.s32 $0xD100  }
0x6d: {  	[tilespmem:s22], [sflag:$0x2] =	stream.indirect_vreg.gather [hbm4b:s5+s2], $0x80, v4, vm0, $0xb8;
	[tilespmem:$0x10100] =	vst v63  }
0x6e: {  	s22 =	simm.s32 $0xD900  }
0x6f: {  	[tilespmem:s22], [sflag:$0x2] =	stream.indirect_vreg.gather [hbm4b:s6+s2], $0x80, v4, vm0, $0xb8;
	[tilespmem:$0x10100] =	vst v63  }
0x70: {  	s22 =	simm.s32 $0xE100  }
0x71: {  	[tilespmem:s22], [sflag:$0x2] =	stream.indirect_vreg.gather [hbm4b:s3+s2], $0x80, v3, vm0, $0xb8;
	[tilespmem:$0x10100] =	vst v63  }
0x72: {  	s22 =	simm.s32 $0xE900  }
0x73: {  	[tilespmem:s22], [sflag:$0x2] =	stream.indirect_vreg.gather [hbm4b:s4+s2], $0x80, v3, vm0, $0xb8;
	[tilespmem:$0x10100] =	vst v63  }
0x74: {  	s22 =	simm.s32 $0xF100  }
0x75: {  	[tilespmem:s22], [sflag:$0x2] =	stream.indirect_vreg.gather [hbm4b:s5+s2], $0x80, v3, vm0, $0xb8;
	[tilespmem:$0x10100] =	vst v63  }
0x76: {  	s22 =	simm.s32 $0xF900  }
0x77: {  	[tilespmem:s22], [sflag:$0x2] =	stream.indirect_vreg.gather [hbm4b:s6+s2], $0x80, v3, vm0, $0xb8;
	[tilespmem:$0x10100] =	vst v63  }
0x78: {  	_ =	swait.ge [sflag:s9], $0x8000  }
0x79: {  	[sflag:s9] =	ssyncset.done $0x0  }
0x7a: {  	s22 =	rddreg [dreg:$0x5];
	[sflag:s9] =	ssyncadd.s32 $0xFFFF8000  }
0x7b: {  	[hbm4b:s22+s2] =	stream.linear.scatter [tilespmem:s28], [sflag:$0x1], $0x8000, $0x38;
	[tilespmem:$0x10100] =	vst v63  }
0x7c: {  	_ =	swait.ge [sflag:s10], $0x8000  }
0x7d: {  	[sflag:s10] =	ssyncset.done $0x0  }
0x7e: {  	s22 =	rddreg [dreg:$0x6];
	[sflag:s10] =	ssyncadd.s32 $0xFFFF8000  }
0x7f: {  	[hbm4b:s22+s2] =	stream.linear.scatter [tilespmem:s0], [sflag:$0x2], $0x8000, $0x38;
	[tilespmem:$0x10100] =	vst v63  }
0x80: {  	_ =	swait.ge [sflag:s9], $0x8000  }
0x81: {  	[sflag:s9] =	ssyncset.done $0x0  }
0x82: {  	[sflag:s9] =	ssyncadd.s32 $0xFFFF8000  }
0x83: {  	_ =	swait.ge [sflag:s10], $0x8000  }
0x84: {  	[sflag:s10] =	ssyncset.done $0x0  }
0x85: {  	s21 =	rddreg [dreg:$0x7];
	[sflag:s10] =	ssyncadd.s32 $0xFFFF8000  }
0x86: {  	[tilespmem:s2], [sflag:$0x1] =	stream.linear.gather [hbm4b:s21+s2], $0x20, $0x38;
	[tilespmem:$0x10100] =	vst v63  }
0x87: {  	s22 =	rddreg [dreg:$0x8]  }
0x88: {  	[tilespmem:s23], [sflag:$0x2] =	stream.linear.gather [hbm4b:s22+s2], $0x20, $0x38;
	[tilespmem:$0x10100] =	vst v63  }
0x89: {  	_ =	swait.ge [sflag:s9], $0x20  }
0x8a: {  	[sflag:s9] =	ssyncset.done $0x0  }
0x8b: {  	[sflag:s9] =	ssyncadd.s32 $0xFFFFFFE0  }
0x8c: {  	_ =	swait.ge [sflag:s10], $0x20  }
0x8d: {  	[sflag:s10] =	ssyncset.done $0x0  }
0x8e: {  	[sflag:s10] =	ssyncadd.s32 $0xFFFFFFE0  }
0x8f: {  	v3 =	vld [tilespmem:$0x0];
	_ =	sdelay $0x4  }
0x90: {  	v60 =	vshll.u32 v3, $0x3  }
0x91: {  	v3 =	vand.u32 $0x7, v3;
	v4 =	vand.u32 $0xFFFFFFC0, v60  }
0x92: {  	v3 =	vor.u32 v3, v4  }
0x93: {  	v4 =	vperm.xlane v3, v0;
	_ =	sdelay $0x1  }
0x94: {  	v4 =	vadd.s32 v1, v4;
	_ =	sdelay $0x4  }
0x95: {  	[tilespmem:s28], [sflag:$0x1] =	stream.indirect_vreg.gather [hbm4b:s3+s2], $0x80, v4, vm0, $0xb8;
	[tilespmem:$0x10100] =	vst v63  }
0x96: {  	v3 =	vperm.xlane v3, v2  }
0x97: {  	[tilespmem:s24], [sflag:$0x1] =	stream.indirect_vreg.gather [hbm4b:s4+s2], $0x80, v4, vm0, $0xb8;
	[tilespmem:$0x10100] =	vst v63  }
0x98: {  	v3 =	vadd.s32 v1, v3  }
0x99: {  	[tilespmem:s25], [sflag:$0x1] =	stream.indirect_vreg.gather [hbm4b:s5+s2], $0x80, v4, vm0, $0xb8;
	[tilespmem:$0x10100] =	vst v63  }
0x9a: {  	_ = 	snop  }
0x9b: {  	[tilespmem:s26], [sflag:$0x1] =	stream.indirect_vreg.gather [hbm4b:s6+s2], $0x80, v4, vm0, $0xb8;
	[tilespmem:$0x10100] =	vst v63  }
0x9c: {  	_ = 	snop  }
0x9d: {  	[tilespmem:s29], [sflag:$0x1] =	stream.indirect_vreg.gather [hbm4b:s3+s2], $0x80, v3, vm0, $0xb8;
	[tilespmem:$0x10100] =	vst v63  }
0x9e: {  	_ = 	snop  }
0x9f: {  	[tilespmem:s30], [sflag:$0x1] =	stream.indirect_vreg.gather [hbm4b:s4+s2], $0x80, v3, vm0, $0xb8;
	[tilespmem:$0x10100] =	vst v63  }
0xa0: {  	_ = 	snop  }
0xa1: {  	[tilespmem:s31], [sflag:$0x1] =	stream.indirect_vreg.gather [hbm4b:s5+s2], $0x80, v3, vm0, $0xb8;
	[tilespmem:$0x10100] =	vst v63  }
0xa2: {  	s22 =	simm.s32 $0x3900  }
0xa3: {  	[tilespmem:s22], [sflag:$0x1] =	stream.indirect_vreg.gather [hbm4b:s6+s2], $0x80, v3, vm0, $0xb8;
	[tilespmem:$0x10100] =	vst v63  }
0xa4: {  	v3 =	vld [tilespmem:$0x10];
	_ =	sdelay $0x4  }
0xa5: {  	v61 =	vshll.u32 v3, $0x3  }
0xa6: {  	v3 =	vand.u32 $0x7, v3;
	v4 =	vand.u32 $0xFFFFFFC0, v61  }
0xa7: {  	v3 =	vor.u32 v3, v4  }
0xa8: {  	v4 =	vperm.xlane v3, v0;
	_ =	sdelay $0x1  }
0xa9: {  	v4 =	vadd.s32 v1, v4;
	_ =	sdelay $0x4  }
0xaa: {  	[tilespmem:s1], [sflag:$0x1] =	stream.indirect_vreg.gather [hbm4b:s3+s2], $0x80, v4, vm0, $0xb8;
	[tilespmem:$0x10100] =	vst v63  }
0xab: {  	v3 =	vperm.xlane v3, v2  }
0xac: {  	[tilespmem:s8], [sflag:$0x1] =	stream.indirect_vreg.gather [hbm4b:s4+s2], $0x80, v4, vm0, $0xb8;
	[tilespmem:$0x10100] =	vst v63  }
0xad: {  	v3 =	vadd.s32 v1, v3  }
0xae: {  	[tilespmem:s12], [sflag:$0x1] =	stream.indirect_vreg.gather [hbm4b:s5+s2], $0x80, v4, vm0, $0xb8;
	[tilespmem:$0x10100] =	vst v63  }
0xaf: {  	_ = 	snop  }
0xb0: {  	[tilespmem:s13], [sflag:$0x1] =	stream.indirect_vreg.gather [hbm4b:s6+s2], $0x80, v4, vm0, $0xb8;
	[tilespmem:$0x10100] =	vst v63  }
0xb1: {  	_ = 	snop  }
0xb2: {  	[tilespmem:s14], [sflag:$0x1] =	stream.indirect_vreg.gather [hbm4b:s3+s2], $0x80, v3, vm0, $0xb8;
	[tilespmem:$0x10100] =	vst v63  }
0xb3: {  	_ = 	snop  }
0xb4: {  	[tilespmem:s15], [sflag:$0x1] =	stream.indirect_vreg.gather [hbm4b:s4+s2], $0x80, v3, vm0, $0xb8;
	[tilespmem:$0x10100] =	vst v63  }
0xb5: {  	_ = 	snop  }
0xb6: {  	[tilespmem:s16], [sflag:$0x1] =	stream.indirect_vreg.gather [hbm4b:s5+s2], $0x80, v3, vm0, $0xb8;
	[tilespmem:$0x10100] =	vst v63  }
0xb7: {  	_ = 	snop  }
0xb8: {  	[tilespmem:s17], [sflag:$0x1] =	stream.indirect_vreg.gather [hbm4b:s6+s2], $0x80, v3, vm0, $0xb8;
	[tilespmem:$0x10100] =	vst v63  }
0xb9: {  	v3 =	vld [tilespmem:$0x80];
	_ =	sdelay $0x4  }
0xba: {  	v62 =	vshll.u32 v3, $0x3  }
0xbb: {  	v3 =	vand.u32 $0x7, v3;
	v4 =	vand.u32 $0xFFFFFFC0, v62  }
0xbc: {  	v3 =	vor.u32 v3, v4  }
0xbd: {  	v4 =	vperm.xlane v3, v0;
	_ =	sdelay $0x1  }
0xbe: {  	v4 =	vadd.s32 v1, v4;
	_ =	sdelay $0x4  }
0xbf: {  	[tilespmem:s0], [sflag:$0x2] =	stream.indirect_vreg.gather [hbm4b:s3+s2], $0x80, v4, vm0, $0xb8;
	[tilespmem:$0x10100] =	vst v63  }
0xc0: {  	v3 =	vperm.xlane v3, v2  }
0xc1: {  	[tilespmem:s18], [sflag:$0x2] =	stream.indirect_vreg.gather [hbm4b:s4+s2], $0x80, v4, vm0, $0xb8;
	[tilespmem:$0x10100] =	vst v63  }
0xc2: {  	v3 =	vadd.s32 v1, v3  }
0xc3: {  	[tilespmem:s19], [sflag:$0x2] =	stream.indirect_vreg.gather [hbm4b:s5+s2], $0x80, v4, vm0, $0xb8;
	[tilespmem:$0x10100] =	vst v63  }
0xc4: {  	_ = 	snop  }
0xc5: {  	[tilespmem:s20], [sflag:$0x2] =	stream.indirect_vreg.gather [hbm4b:s6+s2], $0x80, v4, vm0, $0xb8;
	[tilespmem:$0x10100] =	vst v63  }
0xc6: {  	_ = 	snop  }
0xc7: {  	[tilespmem:s11], [sflag:$0x2] =	stream.indirect_vreg.gather [hbm4b:s3+s2], $0x80, v3, vm0, $0xb8;
	[tilespmem:$0x10100] =	vst v63  }
0xc8: {  	s22 =	simm.s32 $0xA900  }
0xc9: {  	[tilespmem:s22], [sflag:$0x2] =	stream.indirect_vreg.gather [hbm4b:s4+s2], $0x80, v3, vm0, $0xb8;
	[tilespmem:$0x10100] =	vst v63  }
0xca: {  	s21 =	simm.s32 $0xB100  }
0xcb: {  	[tilespmem:s21], [sflag:$0x2] =	stream.indirect_vreg.gather [hbm4b:s5+s2], $0x80, v3, vm0, $0xb8;
	[tilespmem:$0x10100] =	vst v63  }
0xcc: {  	s22 =	simm.s32 $0xB900  }
0xcd: {  	[tilespmem:s22], [sflag:$0x2] =	stream.indirect_vreg.gather [hbm4b:s6+s2], $0x80, v3, vm0, $0xb8;
	[tilespmem:$0x10100] =	vst v63  }
0xce: {  	v3 =	vld [tilespmem:$0x90];
	_ =	sdelay $0x4  }
0xcf: {  	v63 =	vshll.u32 v3, $0x3  }
0xd0: {  	v3 =	vand.u32 $0x7, v3;
	v4 =	vand.u32 $0xFFFFFFC0, v63  }
0xd1: {  	v3 =	vor.u32 v3, v4  }
0xd2: {  	v4 =	vperm.xlane v3, v0;
	_ =	sdelay $0x1  }
0xd3: {  	v4 =	vadd.s32 v1, v4;
	_ =	sdelay $0x3  }
0xd4: {  	s21 =	simm.s32 $0xC100  }
0xd5: {  	[tilespmem:s21], [sflag:$0x2] =	stream.indirect_vreg.gather [hbm4b:s3+s2], $0x80, v4, vm0, $0xb8;
	[tilespmem:$0x10100] =	vst v63  }
0xd6: {  	s22 =	simm.s32 $0xC900;
	v3 =	vperm.xlane v3, v2  }
0xd7: {  	[tilespmem:s22], [sflag:$0x2] =	stream.indirect_vreg.gather [hbm4b:s4+s2], $0x80, v4, vm0, $0xb8;
	[tilespmem:$0x10100] =	vst v63  }
0xd8: {  	v3 =	vadd.s32 v1, v3;
	s21 =	simm.s32 $0xD100  }
0xd9: {  	[tilespmem:s21], [sflag:$0x2] =	stream.indirect_vreg.gather [hbm4b:s5+s2], $0x80, v4, vm0, $0xb8;
	[tilespmem:$0x10100] =	vst v63  }
0xda: {  	s22 =	simm.s32 $0xD900  }
0xdb: {  	[tilespmem:s22], [sflag:$0x2] =	stream.indirect_vreg.gather [hbm4b:s6+s2], $0x80, v4, vm0, $0xb8;
	[tilespmem:$0x10100] =	vst v63  }
0xdc: {  	s21 =	simm.s32 $0xE100  }
0xdd: {  	[tilespmem:s21], [sflag:$0x2] =	stream.indirect_vreg.gather [hbm4b:s3+s2], $0x80, v3, vm0, $0xb8;
	[tilespmem:$0x10100] =	vst v63  }
0xde: {  	s22 =	simm.s32 $0xE900  }
0xdf: {  	[tilespmem:s22], [sflag:$0x2] =	stream.indirect_vreg.gather [hbm4b:s4+s2], $0x80, v3, vm0, $0xb8;
	[tilespmem:$0x10100] =	vst v63  }
0xe0: {  	s21 =	simm.s32 $0xF100  }
0xe1: {  	[tilespmem:s21], [sflag:$0x2] =	stream.indirect_vreg.gather [hbm4b:s5+s2], $0x80, v3, vm0, $0xb8;
	[tilespmem:$0x10100] =	vst v63  }
0xe2: {  	s22 =	simm.s32 $0xF900  }
0xe3: {  	[tilespmem:s22], [sflag:$0x2] =	stream.indirect_vreg.gather [hbm4b:s6+s2], $0x80, v3, vm0, $0xb8;
	[tilespmem:$0x10100] =	vst v63  }
0xe4: {  	_ =	swait.ge [sflag:s9], $0x8000  }
0xe5: {  	[sflag:s9] =	ssyncset.done $0x0  }
0xe6: {  	s1 =	rddreg [dreg:$0x9];
	[sflag:s9] =	ssyncadd.s32 $0xFFFF8000  }
0xe7: {  	[hbm4b:s1+s2] =	stream.linear.scatter [tilespmem:s28], [sflag:$0x1], $0x8000, $0x38;
	[tilespmem:$0x10100] =	vst v63  }
0xe8: {  	_ =	swait.ge [sflag:s10], $0x8000  }
0xe9: {  	[sflag:s10] =	ssyncset.done $0x0  }
0xea: {  	s22 =	rddreg [dreg:$0xa];
	[sflag:s10] =	ssyncadd.s32 $0xFFFF8000  }
0xeb: {  	[hbm4b:s22+s2] =	stream.linear.scatter [tilespmem:s0], [sflag:$0x2], $0x8000, $0x38;
	[tilespmem:$0x10100] =	vst v63  }
0xec: {  	p0 =	sne.s32 s7, $0x1;
	_ =	swait.ge [sflag:s9], $0x8000  }
.Ltmp0:
0xed: {  	[sflag:s9] =	ssyncset.done $0x0;
	(pc) =	sbr.rel @p0 .LBB2_1-.Ltmp0, $4  }
0xee: {  	[sflag:s9] =	ssyncadd.s32 $0xFFFF8000  }
0xef: {  	_ =	swait.ge [sflag:s10], $0x8000  }
0xf0: {  	[sflag:s10] =	ssyncset.done $0x0  }
0xf1: {  	s7 =	sadd.s32 $0xFFFFFFFF, s7;
	[sflag:s10] =	ssyncadd.s32 $0xFFFF8000  }
0xf2: {  	_ =	sfence.sel $0x180000  }
0xf3: {  	[bflag:$0x0] =	sbarrier.arrive $0xFFFF  }
0xf4: {  	_ =	strace $0x9000004A  }
0xf5: {  	s0 =	stileid.u32;
	[bflag:$0x2] =	sbarrier.arrive $0xFFFF  }
0xf6: {  	p0 =	sne.s32 s0, $0x0;
	s0 =	rddreg [dreg:$0x2]  }
0xf7: {  	s0 =	sadd.s32 @!p0 $0x100000, s0  }
0xf8: {  	[sflag:s0] =	ssyncadd.tile.s32 @!p0 $0x1;
	_ =	shalt  }
.Lfunc_end2:
_tile_overlayer_lowered:
.L_overlay_start_2:
0xf9: {  	(tag) =	ssettag $0x2  }
0xfa: {  	s0 =	rddreg [dreg:$0x0];
	s2 =	stileid.u32  }
0xfb: {  	s1 =	rddreg [dreg:$0x1];
	p0 =	sne.s32 s2, $0x0  }
0xfc: {  	s3 =	rddreg [dreg:$0x2];
	[bflag:$0x3] =	sbarrier.arrive $0xFFFF;
	s2 =	simm.s32 @!p0 $0x1C03  }
0xfd: {  	[timem:s3], [sflag:s2] =	dma.local @!p0 [hbm:s0], s1  }
0xfe: {  	s0 =	simm.s32 @!p0 $0x3  }
0xff: {  	_ =	swait.ge @!p0 [sflag:s0], s1  }
0x100: {  	s1 =	ssub.s32 @!p0 $0x0, s1;
	[sflag:s0] =	ssyncset.done @!p0 $0x0  }
0x101: {  	[sflag:s0] =	ssyncadd.s32 @!p0 s1  }
0x102: {  	[bflag:$0x3] =	sbarrier.arrive $0xFFFF  }
0x103: {  	_ =	shalt  }

// kernel: kernel.7.cloned.1.call-start
scs
__scs_entry_jumppad:
0x0: {  	(pc) =	sbr.rel $0x88, $3  }
0x1: {  	(tag) =	ssettag $0x0;
	lr =	simm.s32 $0x1  }
0x2: {  	[smem:$0x3F98] =	sst lr;
	_ =	strace $0xD0000000  }
0x3: {  	_ = 	snop  }
0x4: {  	_ = 	snop  }
0x5: {  	_ = 	snop  }
0x6: {  	_ = 	snop  }
0x7: {  	_ = 	snop  }
__scs_overlays_trampoline_lowered:
0x8: {  	[smem:$0x3FA7] =	sst s0  }
0x9: {  	[smem:$0x3FA8] =	sst s1  }
0xa: {  	[smem:$0x3FA9] =	sst s2  }
0xb: {  	[smem:$0x3FAA] =	sst s3  }
0xc: {  	[smem:$0x3FAB] =	sst s4  }
0xd: {  	[smem:$0x3FAC] =	sst s5  }
0xe: {  	[smem:$0x3FAD] =	sst s6  }
0xf: {  	[smem:$0x3FAE] =	sst s7  }
0x10: {  	[smem:$0x3FAF] =	sst s8  }
0x11: {  	[smem:$0x3FB0] =	sst s9;
	s0 =	simm.s32 @!p0 $0x0  }
0x12: {  	s1 =	sld [smem:$0x3F96];
	s0 =	simm.s32 @p0 $0x1  }
0x13: {  	[smem:$0x3FB1] =	sst s0;
	s0 =	simm.s32 @!p1 $0x0  }
0x14: {  	s2 =	sld [smem:$0x3F95];
	s0 =	simm.s32 @p1 $0x1  }
0x15: {  	[smem:$0x3FB2] =	sst s0;
	s0 =	simm.s32 @!p2 $0x0  }
0x16: {  	s3 =	sld [smem:$0x3FDB];
	s0 =	simm.s32 @p2 $0x1  }
0x17: {  	s4 =	simm.s32 $0x1BF5;
	[smem:$0x3FB4] =	sst s0  }
0x18: {  	s0 =	sld [smem:$0x3F97];
	_ =	swait.ge [sflag:s4], $0x0  }
0x19: {  	s7 =	sld [smem:$0x3F98]  }
0x1a: {  	s8 =	sadd.s32 $0xFFFFE003, lr  }
0x1b: {  	s9 =	sadd.s32 $0xFFFFFEF7, lr;
	s5 =	simm.s32 $0xFFFFFFFF;
	p2 =	slt.u32 s8, $0xFFFFF086  }
0x1c: {  	p1 =	slt.u32 s9, $0xF7A;
	s5 =	simm.s32 @!p2 $0x0  }
0x1d: {  	s5 =	simm.s32 @p1 $0x1;
	p0 =	seq.s32 s7, s2  }
0x1e: {  	s7 =	smul.u32 @!p0 $0xF7A, s2;
	p2 =	seq.s32 @!p0 s5, $0x0  }
0x1f: {  	s9 =	smul.u32 $0xF7A, s1;
	s8 =	simm.s32 @!p0 $0x1BF5;
	p2 =	por !p2, p0  }
0x20: {  	[sflag:s8] =	ssyncset.s32 @!p0 $0xFFFFF086;
	s6 =	sadd.s32 @!p0 s3, s7;
	s7 =	simm.s32 @!p0 $0x108  }
0x21: {  	s3 =	sadd.s32 s3, s9;
	s6 =	sadd.s32 @!p0 $0x88, s6;
	s7 =	simm.s32 @p2 $0x1082  }
0x22: {  	[simem:s7], [sflag:s8] =	dma.local @!p0 [hbm:s6], $0xF7A  }
0x23: {  	s9 =	sor.u32 $0xD0000000, s2;
	s6 =	simm.s32 $0x108;
	_ =	swait.ge @!p0 [sflag:s8], $0x0  }
0x24: {  	s3 =	sadd.s32 $0x88, s3;
	s6 =	simm.s32 @!p1 $0x1082;
	[sflag:s4] =	ssyncset.s32 $0xFFFFF086  }
0x25: {  	[simem:s6], [sflag:s4] =	dma.local [hbm:s3], $0xF7A  }
0x26: {  	[smem:$0x3F98] =	sst s1;
	(tag) =	ssettag s2;
	_ =	strace s9  }
0x27: {  	s1 =	sld [smem:$0x3FA8]  }
0x28: {  	s2 =	sld [smem:$0x3FA9]  }
0x29: {  	s4 =	sld [smem:$0x3FAB]  }
0x2a: {  	p0 =	seq.s32 s5, $0x0;
	s5 =	sld [smem:$0x3FAC]  }
0x2b: {  	s6 =	sld [smem:$0x3FAD]  }
0x2c: {  	s7 =	sld [smem:$0x3FAE]  }
0x2d: {  	s3 =	simm.s32 $0x108;
	s8 =	sld [smem:$0x3FAF]  }
0x2e: {  	s3 =	simm.s32 @!p0 $0x1082;
	s9 =	sld [smem:$0x3FB0]  }
0x2f: {  	lr =	sadd.s32 s0, s3;
	s0 =	sld [smem:$0x3FA7]  }
0x30: {  	s3 =	sld [smem:$0x3FAA]  }
0x31: {  	[smem:$0x3FB3] =	sst s10  }
0x32: {  	s10 =	sld [smem:$0x3FB1];
	_ =	sdelay $0x3  }
0x33: {  	p0 =	seq.s32 s10, $0x1;
	s10 =	sld [smem:$0x3FB3];
	_ =	sdelay $0x3  }
0x34: {  	[smem:$0x3FB3] =	sst s10  }
0x35: {  	s10 =	sld [smem:$0x3FB2];
	_ =	sdelay $0x3  }
0x36: {  	p1 =	seq.s32 s10, $0x1;
	s10 =	sld [smem:$0x3FB3];
	_ =	sdelay $0x3  }
0x37: {  	[smem:$0x3FB3] =	sst s10  }
0x38: {  	s10 =	sld [smem:$0x3FB4]  }
0x39: {  	_ = 	snop;
	(pc) =	sbr.ind lr, $3  }
0x3a: {  	_ = 	snop  }
0x3b: {  	_ = 	snop  }
0x3c: {  	p2 =	seq.s32 s10, $0x1;
	s10 =	sld [smem:$0x3FB3]  }
0x3d: {  	_ =	shalt  }
0x3e: {  	_ =	shalt  }
0x3f: {  	_ =	shalt  }
0x40: {  	_ =	shalt  }
0x41: {  	_ =	shalt  }
0x42: {  	_ =	shalt  }
0x43: {  	_ =	shalt  }
0x44: {  	_ =	shalt  }
0x45: {  	_ =	shalt  }
0x46: {  	_ =	shalt  }
0x47: {  	_ =	shalt  }
0x48: {  	_ =	shalt  }
0x49: {  	_ =	shalt  }
0x4a: {  	_ =	shalt  }
0x4b: {  	_ =	shalt  }
0x4c: {  	_ =	shalt  }
0x4d: {  	_ =	shalt  }
0x4e: {  	_ =	shalt  }
0x4f: {  	_ =	shalt  }
0x50: {  	_ =	shalt  }
0x51: {  	_ =	shalt  }
0x52: {  	_ =	shalt  }
0x53: {  	_ =	shalt  }
0x54: {  	_ =	shalt  }
0x55: {  	_ =	shalt  }
0x56: {  	_ =	shalt  }
0x57: {  	_ =	shalt  }
0x58: {  	_ =	shalt  }
0x59: {  	_ =	shalt  }
0x5a: {  	_ =	shalt  }
0x5b: {  	_ =	shalt  }
0x5c: {  	_ =	shalt  }
0x5d: {  	_ =	shalt  }
0x5e: {  	_ =	shalt  }
0x5f: {  	_ =	shalt  }
0x60: {  	_ =	shalt  }
0x61: {  	_ =	shalt  }
0x62: {  	_ =	shalt  }
0x63: {  	_ =	shalt  }
0x64: {  	_ =	shalt  }
0x65: {  	_ =	shalt  }
0x66: {  	_ =	shalt  }
0x67: {  	_ =	shalt  }
0x68: {  	_ =	shalt  }
0x69: {  	_ =	shalt  }
0x6a: {  	_ =	shalt  }
0x6b: {  	_ =	shalt  }
0x6c: {  	_ =	shalt  }
0x6d: {  	_ =	shalt  }
0x6e: {  	_ =	shalt  }
0x6f: {  	_ =	shalt  }
0x70: {  	_ =	shalt  }
0x71: {  	_ =	shalt  }
0x72: {  	_ =	shalt  }
0x73: {  	_ =	shalt  }
0x74: {  	_ =	shalt  }
0x75: {  	_ =	shalt  }
0x76: {  	_ =	shalt  }
0x77: {  	_ =	shalt  }
0x78: {  	_ =	shalt  }
0x79: {  	_ =	shalt  }
0x7a: {  	_ =	shalt  }
0x7b: {  	_ =	shalt  }
0x7c: {  	_ =	shalt  }
0x7d: {  	_ =	shalt  }
0x7e: {  	_ =	shalt  }
0x7f: {  	_ =	shalt  }
0x80: {  	_ =	shalt  }
0x81: {  	_ =	shalt  }
0x82: {  	_ =	shalt  }
0x83: {  	_ =	shalt  }
0x84: {  	_ =	shalt  }
0x85: {  	_ =	shalt  }
0x86: {  	_ =	shalt  }
0x87: {  	_ =	shalt  }
.Lfunc_end0:
.L_simem_size_0:
called_computation_lowered:
.L_overlay_start_0:
0x88: {  	s2 =	sld [smem:$0x3FD9]  }
0x89: {  	s3 =	sld [smem:$0x3FFE];
	_ =	sdelay $0x1  }
0x8a: {  	s1 =	srdreg.scid  }
0x8b: {  	s0 =	sand.u32 $0x1, s1  }
0x8c: {  	s17 =	sshll.u32 s0, $0xA;
	s2 =	sadd.s32 s3, s2  }
0x8d: {  	s2 =	sadd.s32 s2, s17  }
0x8e: {  	[smem:$0x3FBF] =	sst s2  }
0x8f: {  	_ = 	snop  }
0x90: {  	s2 =	sld [smem:$0x3FC9];
	(tm) =	ssettm $0x1  }
0x91: {  	s18 =	sld [smem:$0x3FFB];
	_ =	sdelay $0x3  }
0x92: {  	_ =	strace s18  }
0x93: {  	s3 =	sld [smem:$0x3FFC];
	_ =	sdelay $0x3  }
0x94: {  	_ =	strace s3  }
0x95: {  	s3 =	sld [smem:$0x3FFD];
	_ =	sdelay $0x3  }
0x96: {  	_ =	strace s3  }
0x97: {  	_ =	strace $0x8FFFFFFF  }
0x98: {  	s19 =	sld [smem:$0x3FDB];
	_ =	sdelay $0x1  }
0x99: {  	s4 =	simm.s32 $_scs_section_size  }
0x9a: {  	s5 =	simm.s32 $_size__tile_overlayer_lowered;
	s6 =	simm.s32 $_tile_overlayer_lowered  }
0x9b: {  	s22 =	simm.s32 $0x1BFF;
	s21 =	sshll.u32 s6, $0x1;
	s3 =	sadd.s32 s4, s19  }
0x9c: {  	s7 =	simm.s32 $0x0;
	s20 =	sshll.u32 s5, $0x1;
	s5 =	sadd.s32 s21, s3  }
0x9d: {  	[timem:s7], [sflag:s22] =	dma.local [hbm:s5], s20  }
0x9e: {  	_ =	swait.ge [sflag:s22], s20  }
0x9f: {  	s4 =	ssub.s32 $0x0, s20;
	[sflag:s22] =	ssyncset.done $0x0  }
0xa0: {  	[sflag:s22] =	ssyncadd.s32 s4;
	_ =	sdelay $0x1  }
0xa1: {  	s23 =	simm.s32 $0x1B8B  }
0xa2: {  	_ =	swait.ge [sflag:s23], $0x1  }
0xa3: {  	[sflag:s23] =	ssyncset.done $0x0  }
0xa4: {  	s25 =	simm.s32 $0x1B8E;
	s24 =	sld [smem:$0x3FFE];
	[sflag:s23] =	ssyncadd.s32 $0xFFFFFFFF  }
0xa5: {  	s26 =	simm.s32 $execute0_lowered;
	[smem:$0x3FD2] =	sst s25  }
0xa6: {  	s5 =	sshll.u32 s26, $0x1;
	_ =	strace $0x80000046;
	[dreg:$0x1] =	wrdreg $0xFFFFFFFF  }
0xa7: {  	s28 =	simm.s32 $_size_execute0_lowered;
	s3 =	sadd.s32 s3, s5;
	[dreg:$0x0] =	wrdreg $0x0  }
0xa8: {  	s5 =	sshll.u32 s28, $0x1;
	[dreg:$0x2] =	wrdreg s3  }
0xa9: {  	[dreg:$0x3] =	wrdreg s5  }
0xaa: {  	[dreg:$0x4] =	wrdreg $0xC0  }
0xab: {  	_ =	task [dreg:s7], $0x5FFFF  }
0xac: {  	[dreg:$0x1] =	wrdreg $0xFFFFFFFF  }
0xad: {  	[dreg:$0x0] =	wrdreg $0x60  }
0xae: {  	[dreg:$0x2] =	wrdreg s2  }
0xaf: {  	[dreg:$0x3] =	wrdreg s24  }
0xb0: {  	[dreg:$0x4] =	wrdreg $0x9  }
0xb1: {  	_ =	task.clear_ibuf [dreg:s7], $0x5FFFF;
	_ =	strace $0x90000046  }
0xb2: {  	s29 =	simm.s32 $0x9;
	_ =	strace $0x80000048  }
0xb3: {  	_ =	swait.ge [sflag:s29], $0x1  }
0xb4: {  	[sflag:s29] =	ssyncadd.s32 $0xFFFFFFFF  }
0xb5: {  	_ =	strace $0x90000048  }
0xb6: {  	_ =	sfence  }
0xb7: {  	s30 =	sld [smem:$0x0];
	_ =	sdelay $0x2  }
0xb8: {  	s31 =	sshll.u32 s1, $0xD;
	s1 =	sshrl.u32 s1, $0x2  }
0xb9: {  	s3 =	sand.u32 $0x4000, s31;
	s1 =	sadd.s32 s1, s30  }
0xba: {  	s0 =	sor.u32 s3, s0;
	s1 =	sshll.u32 s1, $0x11  }
0xbb: {  	s0 =	sor.u32 s1, s0  }
0xbc: {  	s0 =	sadd.s32 $0x8F2B, s0  }
0xbd: {  	[sflag:s0] =	ssyncadd.remote.s32 $0x1  }
0xbe: {  	_ =	sfence.sel $0xFFFF  }
0xbf: {  	[dreg:$0x0] =	wrdreg $0xFFFFFFFF;
	(pc) =	sbr.abs _section_cstart, $3  }
0xc0: {  	[dreg:$0x1] =	wrdreg $0xFFFFFFFF  }
0xc1: {  	_ =	task.clear_ibuf [dreg:s7], $0x2FFFF;
	_ =	strace $0x9FFFFFFF  }
0xc2: {  	(tm) =	ssettm $0x7FFFFFFF  }
0xc3: {  	_ =	shalt  }
tec
execute0_lowered:
.L_overlay_start_1:
0x0: {  	(tag) =	ssettag $0x1  }
0x1: {  	s0 =	srdreg.scid;
	s1 =	rddreg [dreg:$0x0]  }
0x2: {  	s2 =	stileid.u32;
	s6 =	rddreg [dreg:$0x1]  }
0x3: {  	s26 =	simm.s32 $0x80;
	s10 =	simm.s32 $0x1;
	s25 =	simm.s32 $0x2100  }
0x4: {  	s28 =	simm.s32 $0x3100;
	s29 =	simm.s32 $0x3900;
	s30 =	simm.s32 $0x4100  }
0x5: {  	s31 =	simm.s32 $0x4900;
	s12 =	simm.s32 $0x6100;
	s13 =	simm.s32 $0x6900  }
0x6: {  	s14 =	simm.s32 $0x7100;
	s15 =	simm.s32 $0x7900;
	s16 =	simm.s32 $0x8100  }
0x7: {  	s17 =	simm.s32 $0x8900;
	s18 =	simm.s32 $0x9100;
	s19 =	simm.s32 $0x9900  }
0x8: {  	s20 =	simm.s32 $0xA100;
	s21 =	simm.s32 $0xA900;
	s9 =	simm.s32 $0xB900  }
0x9: {  	s0 =	sand.u32 $0x1, s0;
	s3 =	sshll.u32 s2, $0x7;
	s2 =	simm.s32 $0x0  }
0xa: {  	s4 =	sshll.u32 s0, $0x6;
	[smem:$0x7FF] =	sst s2;
	s0 =	ssub.s32 $0x2, s0  }
0xb: {  	s4 =	sor.u32 s4, s3;
	_ =	strace $0x80000047;
	s7 =	sshrl.u32 s0, $0x1  }
0xc: {  	[dreg:$0x6] =	wrdreg s26;
	s26 =	simm.s32 $0x2900;
	s3 =	sshrl.u32 s4, $0x3  }
0xd: {  	s4 =	sshll.u32 s4, $0x7;
	s0 =	ssub.s32 s0, s7;
	s5 =	sadd.s32 s3, s6  }
0xe: {  	s3 =	sadd.s32 $0x2A00, s6;
	s1 =	sadd.s32 s1, s4;
	s4 =	sadd.s32 $0x2B00, s6  }
0xf: {  	v2 =	vlaneseq.u32;
	s7 =	smax.u32 s0, $0x1;
	s8 =	sadd.s32 $0x2600, s5;
	[dreg:$0x5] =	wrdreg s1  }
0x10: {  	vm0 =	vmmov $0xffff;
	v1 =	vshrl.u32 v2, $0x3;
	s5 =	sadd.s32 $0x2800, s5;
	s1 =	simm.s32 $0x2;
	[dreg:$0x3] =	wrdreg s8  }
0x11: {  	v0 =	vand.u32 $0x7, v2;
	v2 =	vor.u32 $0x8, v2;
	v1 =	vmul.u32 $0x8, v1;
	[dreg:$0x4] =	wrdreg s5;
	s5 =	sadd.s32 $0x2C00, s6;
	s6 =	sadd.s32 $0x2D00, s6  }
.LBB2_1:
0x12: {  	s22 =	rddreg [dreg:$0x3]  }
0x13: {  	s23 =	rddreg [dreg:$0x4]  }
0x14: {  	[tilespmem:s2], [sflag:$0x1] =	stream.linear.gather [hbm4b:s22+s2], $0x40, $0x38;
	[tilespmem:$0x10100] =	vst v63  }
0x15: {  	s24 =	rddreg [dreg:$0x6]  }
0x16: {  	[tilespmem:s24], [sflag:$0x2] =	stream.linear.gather [hbm4b:s23+s2], $0x40, $0x38;
	[tilespmem:$0x10100] =	vst v63  }
0x17: {  	s0 =	rddreg [dreg:$0x5];
	s11 =	simm.s32 $0x100  }
0x18: {  	[tilespmem:s11], [sflag:$0x3] =	stream.linear.gather [hbm4b:s0+s2], $0x10000, $0x38;
	[tilespmem:$0x10100] =	vst v63  }
0x19: {  	_ =	swait.ge [sflag:s10], $0x40  }
0x1a: {  	[sflag:s10] =	ssyncset.done $0x0  }
0x1b: {  	[sflag:s10] =	ssyncadd.s32 $0xFFFFFFC0  }
0x1c: {  	_ =	swait.ge [sflag:s1], $0x40  }
0x1d: {  	[sflag:s1] =	ssyncset.done $0x0  }
0x1e: {  	s0 =	simm.s32 $0x3;
	[sflag:s1] =	ssyncadd.s32 $0xFFFFFFC0  }
0x1f: {  	_ =	swait.ge [sflag:s0], $0x10000  }
0x20: {  	[sflag:s0] =	ssyncset.done $0x0  }
0x21: {  	[sflag:s0] =	ssyncadd.s32 $0xFFFF0000  }
0x22: {  	v3 =	vld [tilespmem:$0x0];
	_ =	sdelay $0x4  }
0x23: {  	v4 =	vshll.u32 v3, $0x3  }
0x24: {  	v3 =	vand.u32 $0x7, v3;
	v4 =	vand.u32 $0xFFFFFFC0, v4  }
0x25: {  	v3 =	vor.u32 v3, v4  }
0x26: {  	v4 =	vperm.xlane v3, v0;
	_ =	sdelay $0x1  }
0x27: {  	v4 =	vadd.s32 v1, v4;
	_ =	sdelay $0x4  }
0x28: {  	[hbm4b:s3+s2] =	stream.indirect_vreg.scatter [tilespmem:s11], [sflag:$0x1], $0x80, v4, vm0, $0xb8;
	[tilespmem:$0x10100] =	vst v63  }
0x29: {  	s22 =	simm.s32 $0x900;
	v3 =	vperm.xlane v3, v2  }
0x2a: {  	[hbm4b:s4+s2] =	stream.indirect_vreg.scatter [tilespmem:s22], [sflag:$0x1], $0x80, v4, vm0, $0xb8;
	[tilespmem:$0x10100] =	vst v63  }
0x2b: {  	s23 =	simm.s32 $0x1100;
	v3 =	vadd.s32 v1, v3  }
0x2c: {  	[hbm4b:s5+s2] =	stream.indirect_vreg.scatter [tilespmem:s23], [sflag:$0x1], $0x80, v4, vm0, $0xb8;
	[tilespmem:$0x10100] =	vst v63  }
0x2d: {  	s24 =	simm.s32 $0x1900  }
0x2e: {  	[hbm4b:s6+s2] =	stream.indirect_vreg.scatter [tilespmem:s24], [sflag:$0x1], $0x80, v4, vm0, $0xb8;
	[tilespmem:$0x10100] =	vst v63  }
0x2f: {  	_ = 	snop  }
0x30: {  	[hbm4b:s3+s2] =	stream.indirect_vreg.scatter [tilespmem:s25], [sflag:$0x1], $0x80, v3, vm0, $0xb8;
	[tilespmem:$0x10100] =	vst v63  }
0x31: {  	_ = 	snop  }
0x32: {  	[hbm4b:s4+s2] =	stream.indirect_vreg.scatter [tilespmem:s26], [sflag:$0x1], $0x80, v3, vm0, $0xb8;
	[tilespmem:$0x10100] =	vst v63  }
0x33: {  	_ = 	snop  }
0x34: {  	[hbm4b:s5+s2] =	stream.indirect_vreg.scatter [tilespmem:s28], [sflag:$0x1], $0x80, v3, vm0, $0xb8;
	[tilespmem:$0x10100] =	vst v63  }
0x35: {  	_ = 	snop  }
0x36: {  	[hbm4b:s6+s2] =	stream.indirect_vreg.scatter [tilespmem:s29], [sflag:$0x1], $0x80, v3, vm0, $0xb8;
	[tilespmem:$0x10100] =	vst v63  }
0x37: {  	v3 =	vld [tilespmem:$0x10];
	_ =	sdelay $0x4  }
0x38: {  	v57 =	vshll.u32 v3, $0x3  }
0x39: {  	v3 =	vand.u32 $0x7, v3;
	v4 =	vand.u32 $0xFFFFFFC0, v57  }
0x3a: {  	v3 =	vor.u32 v3, v4  }
0x3b: {  	v4 =	vperm.xlane v3, v0;
	_ =	sdelay $0x1  }
0x3c: {  	v4 =	vadd.s32 v1, v4;
	_ =	sdelay $0x4  }
0x3d: {  	[hbm4b:s3+s2] =	stream.indirect_vreg.scatter [tilespmem:s30], [sflag:$0x1], $0x80, v4, vm0, $0xb8;
	[tilespmem:$0x10100] =	vst v63  }
0x3e: {  	v3 =	vperm.xlane v3, v2  }
0x3f: {  	[hbm4b:s4+s2] =	stream.indirect_vreg.scatter [tilespmem:s31], [sflag:$0x1], $0x80, v4, vm0, $0xb8;
	[tilespmem:$0x10100] =	vst v63  }
0x40: {  	s8 =	simm.s32 $0x5100;
	v3 =	vadd.s32 v1, v3  }
0x41: {  	[hbm4b:s5+s2] =	stream.indirect_vreg.scatter [tilespmem:s8], [sflag:$0x1], $0x80, v4, vm0, $0xb8;
	[tilespmem:$0x10100] =	vst v63  }
0x42: {  	s8 =	simm.s32 $0x5900  }
0x43: {  	[hbm4b:s6+s2] =	stream.indirect_vreg.scatter [tilespmem:s8], [sflag:$0x1], $0x80, v4, vm0, $0xb8;
	[tilespmem:$0x10100] =	vst v63  }
0x44: {  	_ = 	snop  }
0x45: {  	[hbm4b:s3+s2] =	stream.indirect_vreg.scatter [tilespmem:s12], [sflag:$0x1], $0x80, v3, vm0, $0xb8;
	[tilespmem:$0x10100] =	vst v63  }
0x46: {  	_ = 	snop  }
0x47: {  	[hbm4b:s4+s2] =	stream.indirect_vreg.scatter [tilespmem:s13], [sflag:$0x1], $0x80, v3, vm0, $0xb8;
	[tilespmem:$0x10100] =	vst v63  }
0x48: {  	_ = 	snop  }
0x49: {  	[hbm4b:s5+s2] =	stream.indirect_vreg.scatter [tilespmem:s14], [sflag:$0x1], $0x80, v3, vm0, $0xb8;
	[tilespmem:$0x10100] =	vst v63  }
0x4a: {  	_ = 	snop  }
0x4b: {  	[hbm4b:s6+s2] =	stream.indirect_vreg.scatter [tilespmem:s15], [sflag:$0x1], $0x80, v3, vm0, $0xb8;
	[tilespmem:$0x10100] =	vst v63  }
0x4c: {  	v3 =	vld [tilespmem:$0x20];
	_ =	sdelay $0x4  }
0x4d: {  	v58 =	vshll.u32 v3, $0x3  }
0x4e: {  	v3 =	vand.u32 $0x7, v3;
	v4 =	vand.u32 $0xFFFFFFC0, v58  }
0x4f: {  	v3 =	vor.u32 v3, v4  }
0x50: {  	v4 =	vperm.xlane v3, v0;
	_ =	sdelay $0x1  }
0x51: {  	v4 =	vadd.s32 v1, v4;
	_ =	sdelay $0x4  }
0x52: {  	[hbm4b:s3+s2] =	stream.indirect_vreg.scatter [tilespmem:s16], [sflag:$0x1], $0x80, v4, vm0, $0xb8;
	[tilespmem:$0x10100] =	vst v63  }
0x53: {  	v3 =	vperm.xlane v3, v2  }
0x54: {  	[hbm4b:s4+s2] =	stream.indirect_vreg.scatter [tilespmem:s17], [sflag:$0x1], $0x80, v4, vm0, $0xb8;
	[tilespmem:$0x10100] =	vst v63  }
0x55: {  	v3 =	vadd.s32 v1, v3  }
0x56: {  	[hbm4b:s5+s2] =	stream.indirect_vreg.scatter [tilespmem:s18], [sflag:$0x1], $0x80, v4, vm0, $0xb8;
	[tilespmem:$0x10100] =	vst v63  }
0x57: {  	_ = 	snop  }
0x58: {  	[hbm4b:s6+s2] =	stream.indirect_vreg.scatter [tilespmem:s19], [sflag:$0x1], $0x80, v4, vm0, $0xb8;
	[tilespmem:$0x10100] =	vst v63  }
0x59: {  	_ = 	snop  }
0x5a: {  	[hbm4b:s3+s2] =	stream.indirect_vreg.scatter [tilespmem:s20], [sflag:$0x1], $0x80, v3, vm0, $0xb8;
	[tilespmem:$0x10100] =	vst v63  }
0x5b: {  	_ = 	snop  }
0x5c: {  	[hbm4b:s4+s2] =	stream.indirect_vreg.scatter [tilespmem:s21], [sflag:$0x1], $0x80, v3, vm0, $0xb8;
	[tilespmem:$0x10100] =	vst v63  }
0x5d: {  	s8 =	simm.s32 $0xB100  }
0x5e: {  	[hbm4b:s5+s2] =	stream.indirect_vreg.scatter [tilespmem:s8], [sflag:$0x1], $0x80, v3, vm0, $0xb8;
	[tilespmem:$0x10100] =	vst v63  }
0x5f: {  	_ = 	snop  }
0x60: {  	[hbm4b:s6+s2] =	stream.indirect_vreg.scatter [tilespmem:s9], [sflag:$0x1], $0x80, v3, vm0, $0xb8;
	[tilespmem:$0x10100] =	vst v63  }
0x61: {  	v3 =	vld [tilespmem:$0x30];
	_ =	sdelay $0x4  }
0x62: {  	v59 =	vshll.u32 v3, $0x3  }
0x63: {  	v3 =	vand.u32 $0x7, v3;
	v4 =	vand.u32 $0xFFFFFFC0, v59  }
0x64: {  	v3 =	vor.u32 v3, v4  }
0x65: {  	v4 =	vperm.xlane v3, v0;
	_ =	sdelay $0x1  }
0x66: {  	v4 =	vadd.s32 v1, v4;
	_ =	sdelay $0x3  }
0x67: {  	s0 =	simm.s32 $0xC100  }
0x68: {  	[hbm4b:s3+s2] =	stream.indirect_vreg.scatter [tilespmem:s0], [sflag:$0x1], $0x80, v4, vm0, $0xb8;
	[tilespmem:$0x10100] =	vst v63  }
0x69: {  	v3 =	vperm.xlane v3, v2;
	s0 =	simm.s32 $0xC900  }
0x6a: {  	[hbm4b:s4+s2] =	stream.indirect_vreg.scatter [tilespmem:s0], [sflag:$0x1], $0x80, v4, vm0, $0xb8;
	[tilespmem:$0x10100] =	vst v63  }
0x6b: {  	v3 =	vadd.s32 v1, v3;
	s0 =	simm.s32 $0xD100  }
0x6c: {  	[hbm4b:s5+s2] =	stream.indirect_vreg.scatter [tilespmem:s0], [sflag:$0x1], $0x80, v4, vm0, $0xb8;
	[tilespmem:$0x10100] =	vst v63  }
0x6d: {  	s0 =	simm.s32 $0xD900  }
0x6e: {  	[hbm4b:s6+s2] =	stream.indirect_vreg.scatter [tilespmem:s0], [sflag:$0x1], $0x80, v4, vm0, $0xb8;
	[tilespmem:$0x10100] =	vst v63  }
0x6f: {  	s0 =	simm.s32 $0xE100  }
0x70: {  	[hbm4b:s3+s2] =	stream.indirect_vreg.scatter [tilespmem:s0], [sflag:$0x1], $0x80, v3, vm0, $0xb8;
	[tilespmem:$0x10100] =	vst v63  }
0x71: {  	s0 =	simm.s32 $0xE900  }
0x72: {  	[hbm4b:s4+s2] =	stream.indirect_vreg.scatter [tilespmem:s0], [sflag:$0x1], $0x80, v3, vm0, $0xb8;
	[tilespmem:$0x10100] =	vst v63  }
0x73: {  	s0 =	simm.s32 $0xF100  }
0x74: {  	[hbm4b:s5+s2] =	stream.indirect_vreg.scatter [tilespmem:s0], [sflag:$0x1], $0x80, v3, vm0, $0xb8;
	[tilespmem:$0x10100] =	vst v63  }
0x75: {  	s0 =	simm.s32 $0xF900  }
0x76: {  	[hbm4b:s6+s2] =	stream.indirect_vreg.scatter [tilespmem:s0], [sflag:$0x1], $0x80, v3, vm0, $0xb8;
	[tilespmem:$0x10100] =	vst v63  }
0x77: {  	v3 =	vld [tilespmem:$0x80];
	_ =	sdelay $0x4  }
0x78: {  	v60 =	vshll.u32 v3, $0x3  }
0x79: {  	v3 =	vand.u32 $0x7, v3;
	v4 =	vand.u32 $0xFFFFFFC0, v60  }
0x7a: {  	v3 =	vor.u32 v3, v4  }
0x7b: {  	v4 =	vperm.xlane v3, v0;
	_ =	sdelay $0x1  }
0x7c: {  	v4 =	vadd.s32 v1, v4;
	_ =	sdelay $0x4  }
0x7d: {  	[hbm4b:s3+s2] =	stream.indirect_vreg.scatter [tilespmem:s11], [sflag:$0x2], $0x80, v4, vm0, $0xb8;
	[tilespmem:$0x10100] =	vst v63  }
0x7e: {  	v3 =	vperm.xlane v3, v2  }
0x7f: {  	[hbm4b:s4+s2] =	stream.indirect_vreg.scatter [tilespmem:s22], [sflag:$0x2], $0x80, v4, vm0, $0xb8;
	[tilespmem:$0x10100] =	vst v63  }
0x80: {  	v3 =	vadd.s32 v1, v3  }
0x81: {  	[hbm4b:s5+s2] =	stream.indirect_vreg.scatter [tilespmem:s23], [sflag:$0x2], $0x80, v4, vm0, $0xb8;
	[tilespmem:$0x10100] =	vst v63  }
0x82: {  	_ = 	snop  }
0x83: {  	[hbm4b:s6+s2] =	stream.indirect_vreg.scatter [tilespmem:s24], [sflag:$0x2], $0x80, v4, vm0, $0xb8;
	[tilespmem:$0x10100] =	vst v63  }
0x84: {  	_ = 	snop  }
0x85: {  	[hbm4b:s3+s2] =	stream.indirect_vreg.scatter [tilespmem:s25], [sflag:$0x2], $0x80, v3, vm0, $0xb8;
	[tilespmem:$0x10100] =	vst v63  }
0x86: {  	_ = 	snop  }
0x87: {  	[hbm4b:s4+s2] =	stream.indirect_vreg.scatter [tilespmem:s26], [sflag:$0x2], $0x80, v3, vm0, $0xb8;
	[tilespmem:$0x10100] =	vst v63  }
0x88: {  	_ = 	snop  }
0x89: {  	[hbm4b:s5+s2] =	stream.indirect_vreg.scatter [tilespmem:s28], [sflag:$0x2], $0x80, v3, vm0, $0xb8;
	[tilespmem:$0x10100] =	vst v63  }
0x8a: {  	_ = 	snop  }
0x8b: {  	[hbm4b:s6+s2] =	stream.indirect_vreg.scatter [tilespmem:s29], [sflag:$0x2], $0x80, v3, vm0, $0xb8;
	[tilespmem:$0x10100] =	vst v63  }
0x8c: {  	v3 =	vld [tilespmem:$0x90];
	_ =	sdelay $0x4  }
0x8d: {  	v61 =	vshll.u32 v3, $0x3  }
0x8e: {  	v3 =	vand.u32 $0x7, v3;
	v4 =	vand.u32 $0xFFFFFFC0, v61  }
0x8f: {  	v3 =	vor.u32 v3, v4  }
0x90: {  	v4 =	vperm.xlane v3, v0;
	_ =	sdelay $0x1  }
0x91: {  	v4 =	vadd.s32 v1, v4;
	_ =	sdelay $0x4  }
0x92: {  	[hbm4b:s3+s2] =	stream.indirect_vreg.scatter [tilespmem:s30], [sflag:$0x2], $0x80, v4, vm0, $0xb8;
	[tilespmem:$0x10100] =	vst v63  }
0x93: {  	v3 =	vperm.xlane v3, v2  }
0x94: {  	[hbm4b:s4+s2] =	stream.indirect_vreg.scatter [tilespmem:s31], [sflag:$0x2], $0x80, v4, vm0, $0xb8;
	[tilespmem:$0x10100] =	vst v63  }
0x95: {  	s23 =	simm.s32 $0x5100;
	v3 =	vadd.s32 v1, v3  }
0x96: {  	[hbm4b:s5+s2] =	stream.indirect_vreg.scatter [tilespmem:s23], [sflag:$0x2], $0x80, v4, vm0, $0xb8;
	[tilespmem:$0x10100] =	vst v63  }
0x97: {  	s24 =	simm.s32 $0x5900  }
0x98: {  	[hbm4b:s6+s2] =	stream.indirect_vreg.scatter [tilespmem:s24], [sflag:$0x2], $0x80, v4, vm0, $0xb8;
	[tilespmem:$0x10100] =	vst v63  }
0x99: {  	_ = 	snop  }
0x9a: {  	[hbm4b:s3+s2] =	stream.indirect_vreg.scatter [tilespmem:s12], [sflag:$0x2], $0x80, v3, vm0, $0xb8;
	[tilespmem:$0x10100] =	vst v63  }
0x9b: {  	_ = 	snop  }
0x9c: {  	[hbm4b:s4+s2] =	stream.indirect_vreg.scatter [tilespmem:s13], [sflag:$0x2], $0x80, v3, vm0, $0xb8;
	[tilespmem:$0x10100] =	vst v63  }
0x9d: {  	_ = 	snop  }
0x9e: {  	[hbm4b:s5+s2] =	stream.indirect_vreg.scatter [tilespmem:s14], [sflag:$0x2], $0x80, v3, vm0, $0xb8;
	[tilespmem:$0x10100] =	vst v63  }
0x9f: {  	_ = 	snop  }
0xa0: {  	[hbm4b:s6+s2] =	stream.indirect_vreg.scatter [tilespmem:s15], [sflag:$0x2], $0x80, v3, vm0, $0xb8;
	[tilespmem:$0x10100] =	vst v63  }
0xa1: {  	v3 =	vld [tilespmem:$0xA0];
	_ =	sdelay $0x4  }
0xa2: {  	v62 =	vshll.u32 v3, $0x3  }
0xa3: {  	v3 =	vand.u32 $0x7, v3;
	v4 =	vand.u32 $0xFFFFFFC0, v62  }
0xa4: {  	v3 =	vor.u32 v3, v4  }
0xa5: {  	v4 =	vperm.xlane v3, v0;
	_ =	sdelay $0x1  }
0xa6: {  	v4 =	vadd.s32 v1, v4;
	_ =	sdelay $0x4  }
0xa7: {  	[hbm4b:s3+s2] =	stream.indirect_vreg.scatter [tilespmem:s16], [sflag:$0x2], $0x80, v4, vm0, $0xb8;
	[tilespmem:$0x10100] =	vst v63  }
0xa8: {  	v3 =	vperm.xlane v3, v2  }
0xa9: {  	[hbm4b:s4+s2] =	stream.indirect_vreg.scatter [tilespmem:s17], [sflag:$0x2], $0x80, v4, vm0, $0xb8;
	[tilespmem:$0x10100] =	vst v63  }
0xaa: {  	v3 =	vadd.s32 v1, v3  }
0xab: {  	[hbm4b:s5+s2] =	stream.indirect_vreg.scatter [tilespmem:s18], [sflag:$0x2], $0x80, v4, vm0, $0xb8;
	[tilespmem:$0x10100] =	vst v63  }
0xac: {  	_ = 	snop  }
0xad: {  	[hbm4b:s6+s2] =	stream.indirect_vreg.scatter [tilespmem:s19], [sflag:$0x2], $0x80, v4, vm0, $0xb8;
	[tilespmem:$0x10100] =	vst v63  }
0xae: {  	_ = 	snop  }
0xaf: {  	[hbm4b:s3+s2] =	stream.indirect_vreg.scatter [tilespmem:s20], [sflag:$0x2], $0x80, v3, vm0, $0xb8;
	[tilespmem:$0x10100] =	vst v63  }
0xb0: {  	_ = 	snop  }
0xb1: {  	[hbm4b:s4+s2] =	stream.indirect_vreg.scatter [tilespmem:s21], [sflag:$0x2], $0x80, v3, vm0, $0xb8;
	[tilespmem:$0x10100] =	vst v63  }
0xb2: {  	_ = 	snop  }
0xb3: {  	[hbm4b:s5+s2] =	stream.indirect_vreg.scatter [tilespmem:s8], [sflag:$0x2], $0x80, v3, vm0, $0xb8;
	[tilespmem:$0x10100] =	vst v63  }
0xb4: {  	_ = 	snop  }
0xb5: {  	[hbm4b:s6+s2] =	stream.indirect_vreg.scatter [tilespmem:s9], [sflag:$0x2], $0x80, v3, vm0, $0xb8;
	[tilespmem:$0x10100] =	vst v63  }
0xb6: {  	v3 =	vld [tilespmem:$0xB0];
	_ =	sdelay $0x4  }
0xb7: {  	v63 =	vshll.u32 v3, $0x3  }
0xb8: {  	v3 =	vand.u32 $0x7, v3;
	v4 =	vand.u32 $0xFFFFFFC0, v63  }
0xb9: {  	v3 =	vor.u32 v3, v4  }
0xba: {  	v4 =	vperm.xlane v3, v0;
	_ =	sdelay $0x1  }
0xbb: {  	v4 =	vadd.s32 v1, v4;
	_ =	sdelay $0x3  }
0xbc: {  	s22 =	simm.s32 $0xC100  }
0xbd: {  	[hbm4b:s3+s2] =	stream.indirect_vreg.scatter [tilespmem:s22], [sflag:$0x2], $0x80, v4, vm0, $0xb8;
	[tilespmem:$0x10100] =	vst v63  }
0xbe: {  	s23 =	simm.s32 $0xC900;
	v3 =	vperm.xlane v3, v2  }
0xbf: {  	[hbm4b:s4+s2] =	stream.indirect_vreg.scatter [tilespmem:s23], [sflag:$0x2], $0x80, v4, vm0, $0xb8;
	[tilespmem:$0x10100] =	vst v63  }
0xc0: {  	s24 =	simm.s32 $0xD100;
	v3 =	vadd.s32 v1, v3  }
0xc1: {  	[hbm4b:s5+s2] =	stream.indirect_vreg.scatter [tilespmem:s24], [sflag:$0x2], $0x80, v4, vm0, $0xb8;
	[tilespmem:$0x10100] =	vst v63  }
0xc2: {  	s11 =	simm.s32 $0xD900  }
0xc3: {  	[hbm4b:s6+s2] =	stream.indirect_vreg.scatter [tilespmem:s11], [sflag:$0x2], $0x80, v4, vm0, $0xb8;
	[tilespmem:$0x10100] =	vst v63  }
0xc4: {  	s22 =	simm.s32 $0xE100  }
0xc5: {  	[hbm4b:s3+s2] =	stream.indirect_vreg.scatter [tilespmem:s22], [sflag:$0x2], $0x80, v3, vm0, $0xb8;
	[tilespmem:$0x10100] =	vst v63  }
0xc6: {  	s23 =	simm.s32 $0xE900  }
0xc7: {  	[hbm4b:s4+s2] =	stream.indirect_vreg.scatter [tilespmem:s23], [sflag:$0x2], $0x80, v3, vm0, $0xb8;
	[tilespmem:$0x10100] =	vst v63  }
0xc8: {  	s24 =	simm.s32 $0xF100  }
0xc9: {  	[hbm4b:s5+s2] =	stream.indirect_vreg.scatter [tilespmem:s24], [sflag:$0x2], $0x80, v3, vm0, $0xb8;
	[tilespmem:$0x10100] =	vst v63  }
0xca: {  	_ = 	snop  }
0xcb: {  	[hbm4b:s6+s2] =	stream.indirect_vreg.scatter [tilespmem:s0], [sflag:$0x2], $0x80, v3, vm0, $0xb8;
	[tilespmem:$0x10100] =	vst v63  }
0xcc: {  	p0 =	sne.s32 s7, $0x1;
	_ =	swait.ge [sflag:s10], $0x10000  }
.Ltmp0:
0xcd: {  	[sflag:s10] =	ssyncset.done $0x0;
	(pc) =	sbr.rel @p0 .LBB2_1-.Ltmp0, $4  }
0xce: {  	[sflag:s10] =	ssyncadd.s32 $0xFFFF0000  }
0xcf: {  	_ =	swait.ge [sflag:s1], $0x10000  }
0xd0: {  	[sflag:s1] =	ssyncset.done $0x0  }
0xd1: {  	s7 =	sadd.s32 $0xFFFFFFFF, s7;
	[sflag:s1] =	ssyncadd.s32 $0xFFFF0000  }
0xd2: {  	_ =	sfence.sel $0x180000  }
0xd3: {  	[bflag:$0x0] =	sbarrier.arrive $0xFFFF  }
0xd4: {  	_ =	strace $0x90000047  }
0xd5: {  	s0 =	stileid.u32;
	[bflag:$0x2] =	sbarrier.arrive $0xFFFF  }
0xd6: {  	p0 =	sne.s32 s0, $0x0;
	s0 =	rddreg [dreg:$0x2]  }
0xd7: {  	s0 =	sadd.s32 @!p0 $0x100000, s0  }
0xd8: {  	[sflag:s0] =	ssyncadd.tile.s32 @!p0 $0x1;
	_ =	shalt  }
.Lfunc_end2:
_tile_overlayer_lowered:
.L_overlay_start_2:
0xd9: {  	(tag) =	ssettag $0x2  }
0xda: {  	s0 =	rddreg [dreg:$0x0];
	s2 =	stileid.u32  }
0xdb: {  	s1 =	rddreg [dreg:$0x1];
	p0 =	sne.s32 s2, $0x0  }
0xdc: {  	s3 =	rddreg [dreg:$0x2];
	[bflag:$0x3] =	sbarrier.arrive $0xFFFF;
	s2 =	simm.s32 @!p0 $0x1C04  }
0xdd: {  	[timem:s3], [sflag:s2] =	dma.local @!p0 [hbm:s0], s1  }
0xde: {  	s0 =	simm.s32 @!p0 $0x4  }
0xdf: {  	_ =	swait.ge @!p0 [sflag:s0], s1  }
0xe0: {  	s1 =	ssub.s32 @!p0 $0x0, s1;
	[sflag:s0] =	ssyncset.done @!p0 $0x0  }
0xe1: {  	[sflag:s0] =	ssyncadd.s32 @!p0 s1  }
0xe2: {  	[bflag:$0x3] =	sbarrier.arrive $0xFFFF  }
0xe3: {  	_ =	shalt  }

</sc_bundles>
